<compile_context>
chip_gen: v7x
topology: tpu7x:2x2x1
jax: 0.10.2.dev20260603
libtpu: 0.0.44.dev20260713+nightly
codegen_flags: <defaults>
</compile_context>

<pallas_src>
import functools
import math

import jax
import jax.numpy as jnp
from jax.experimental import pallas as pl
from jax.experimental.pallas import tpu as pltpu
from jax.experimental.pallas import tpu_sc as plsc

B, N, C = 8, 1024, 256
S = 256
NSAMPLE = 16
RADIUS = 0.3
NHEADS = 4
NHID = 128
OUT_CH = 119
INV_BN = 1.0 / math.sqrt(1.0 + 1e-5)
HIGH = jax.lax.Precision.HIGHEST
H3 = jax.lax.Precision.HIGH


def _sc_gather_rows(x, idx, window):
    n = idx.shape[0]
    V = x.shape[1]
    idx2 = idx.reshape(1, n)
    mesh = plsc.VectorSubcoreMesh(core_axis_name="core", subcore_axis_name="subcore")

    @pl.kernel(out_type=jax.ShapeDtypeStruct((n, V), x.dtype), mesh=mesh)
    def k(x_hbm, i_hbm, o_hbm):
        def body(i_vmem, o_vmem):
            pltpu.sync_copy(x_hbm.at[i_vmem.at[0]], o_vmem)

        pltpu.emit_pipeline(
            body,
            grid=(n // window,),
            in_specs=[pl.BlockSpec((1, window), lambda i: (0, i))],
            out_specs=[pl.BlockSpec((window, V), lambda i: (i, 0))],
            core_axis_name=("core", "subcore"),
            dimension_semantics=(pltpu.PARALLEL,),
        )(i_hbm, o_hbm)

    return k(x, idx2)


def _kernel_a(xyzp_ref, feat_ref, inds_ref, w1xT_ref, w1f_ref,
              gi_ref, adj_ref, p_ref, q_ref, c_ref):
    b = pl.program_id(0)
    r2 = RADIUS * RADIUS
    inv_r = 1.0 / RADIUS

    xyzp = xyzp_ref[0]
    ic = jnp.transpose(inds_ref[0])
    onehot = (jax.lax.broadcasted_iota(jnp.int32, (S, N), 1).astype(jnp.float32)
              == ic).astype(jnp.bfloat16)
    hi = xyzp.astype(jnp.bfloat16)
    r_ = xyzp - hi.astype(jnp.float32)
    mid = r_.astype(jnp.bfloat16)
    lo = (r_ - mid.astype(jnp.float32)).astype(jnp.bfloat16)
    g_hi = jnp.dot(onehot, hi, preferred_element_type=jnp.float32)
    g_mid = jnp.dot(onehot, mid, preferred_element_type=jnp.float32)
    g_lo = jnp.dot(onehot, lo, preferred_element_type=jnp.float32)
    cpad = g_hi + (g_mid + g_lo)
    c_ref[0] = cpad

    feat = feat_ref[0]
    pt = jnp.dot(w1f_ref[...], feat, precision=HIGH,
                 preferred_element_type=jnp.float32)
    p = (jnp.dot(xyzp * inv_r, w1xT_ref[...], precision=HIGH,
                 preferred_element_type=jnp.float32)
         + jnp.transpose(pt))
    p_ref[0] = p
    q_ref[0] = jnp.dot(cpad * inv_r, w1xT_ref[...], precision=HIGH,
                       preferred_element_type=jnp.float32)

    cx = cpad[:, 0:1]
    cy = cpad[:, 1:2]
    cz = cpad[:, 2:3]
    xyzT = jnp.transpose(xyzp[:, :3])
    xx = xyzT[0:1, :]
    xy = xyzT[1:2, :]
    xz = xyzT[2:3, :]
    dx = cx - xx
    dy = cy - xy
    dz = cz - xz
    d2 = dx * dx + dy * dy + dz * dz
    iota_n = jax.lax.broadcasted_iota(jnp.int32, (S, N), 1).astype(jnp.float32)
    cand = jnp.where(d2 < r2, iota_n, float(N))
    cols = []
    for _ in range(NSAMPLE):
        m = jnp.min(cand, axis=1, keepdims=True)
        cols.append(m)
        cand = jnp.where(cand == m, float(N), cand)
    gi = jnp.concatenate(cols, axis=1)
    gi = jnp.where(gi == float(N), cols[0], gi)
    gi_ref[0] = gi.astype(jnp.int32) + b * N

    cT = jnp.transpose(cpad)
    ctx = cT[0:1, :]
    cty = cT[1:2, :]
    ctz = cT[2:3, :]
    ddx = cx - ctx
    ddy = cy - cty
    ddz = cz - ctz
    dist = jnp.sqrt(ddx * ddx + ddy * ddy + ddz * ddz)
    iota_s = jax.lax.broadcasted_iota(jnp.int32, (S, S), 1).astype(jnp.float32)
    amask = jnp.zeros((S, S), jnp.float32)
    for _ in range(NSAMPLE):
        m = jnp.min(dist, axis=1, keepdims=True)
        eq = dist == m
        jsel = jnp.min(jnp.where(eq, iota_s, 4096.0), axis=1, keepdims=True)
        one = iota_s == jsel
        amask = jnp.where(one, 1.0, amask)
        dist = jnp.where(one, 1e30, dist)
    amask = jnp.maximum(amask, jnp.transpose(amask))
    eye = (iota_s ==
           jax.lax.broadcasted_iota(jnp.int32, (S, S), 0).astype(jnp.float32))
    adj_ref[0] = jnp.where(eye, 1.0, amask)


def _bdot(a, b):
    return jnp.dot(a.astype(jnp.bfloat16), b.astype(jnp.bfloat16),
                   preferred_element_type=jnp.float32)


def _att_apply(u_col, v_row, adjmask, wh):
    e = u_col + v_row
    e = jnp.where(e > 0, e, 0.2 * e)
    e = jnp.where(adjmask > 0, e, -9e15)
    m = jnp.max(e, axis=1, keepdims=True)
    pexp = jnp.exp(e - m)
    att = pexp / jnp.sum(pexp, axis=1, keepdims=True)
    return _bdot(att, wh)


def _elu(x):
    return jnp.where(x > 0, x, jnp.exp(x) - 1.0)


def _kernel_b(pg_ref, q_ref, adj_ref, cpad_ref,
              g1_ref, b1_ref, w2T_ref, g2_ref, b2_ref, w3T_ref, g3_ref, b3_ref,
              c1T_ref, c1b_ref, bn1g_ref, bn1b_ref, c2T_ref, c2b_ref, bn2g_ref,
              bn2b_ref, gatWcat_ref, gatA1_ref, gatA2_ref, gatWo_ref,
              gatao1_ref, gatao2_ref, c3T_ref, c3b_ref, out_ref, ctr_ref):
    pg = pg_ref[0].reshape(S, NSAMPLE, 128)
    q = q_ref[0].reshape(S, 1, 128)
    h = pg - q
    h = jnp.maximum(g1_ref[...] * INV_BN * h + b1_ref[...], 0.0)
    h = h.reshape(S * NSAMPLE, 128)
    h = _bdot(h, w2T_ref[...])
    h = jnp.maximum(g2_ref[...] * INV_BN * h + b2_ref[...], 0.0)
    h = _bdot(h, w3T_ref[...])
    h = jnp.maximum(g3_ref[...] * INV_BN * h + b3_ref[...], 0.0)
    feat = jnp.max(h.reshape(S, NSAMPLE, 128), axis=1)

    net = jnp.dot(feat, c1T_ref[...], precision=HIGH,
                  preferred_element_type=jnp.float32) + c1b_ref[...]
    net = jnp.maximum(bn1g_ref[...] * net * INV_BN + bn1b_ref[...], 0.0)
    net = jnp.dot(net, c2T_ref[...], precision=HIGH,
                  preferred_element_type=jnp.float32) + c2b_ref[...]
    net = jnp.maximum(bn2g_ref[...] * net * INV_BN + bn2b_ref[...], 0.0)

    adj = adj_ref[0]
    whcat = jnp.dot(net, gatWcat_ref[...], precision=HIGH,
                    preferred_element_type=jnp.float32)
    u4 = jnp.dot(whcat, gatA1_ref[...], precision=HIGH,
                 preferred_element_type=jnp.float32)
    v4 = jnp.dot(whcat, gatA2_ref[...], precision=HIGH,
                 preferred_element_type=jnp.float32)
    v4T = jnp.transpose(v4)
    heads = []
    for i in range(NHEADS):
        wh = whcat[:, i * NHID:(i + 1) * NHID]
        heads.append(_elu(_att_apply(u4[:, i:i + 1], v4T[i:i + 1, :], adj, wh)))
    hcat = jnp.concatenate(heads, axis=1)
    who = jnp.dot(hcat, gatWo_ref[...], precision=HIGH,
                  preferred_element_type=jnp.float32)
    uo = jnp.dot(who, gatao1_ref[...], precision=HIGH,
                 preferred_element_type=jnp.float32)
    vo = jnp.dot(who, gatao2_ref[...], precision=HIGH,
                 preferred_element_type=jnp.float32)
    gat_out = _elu(_att_apply(uo, jnp.transpose(vo), adj, who))

    net3 = jnp.dot(gat_out, c3T_ref[...], precision=HIGH,
                   preferred_element_type=jnp.float32) + c3b_ref[...]
    out_ref[0] = net3
    center = cpad_ref[0][:, 0:3] + net3[:, 2:5]
    ctr_ref[0] = jnp.concatenate([center, jnp.zeros((S, 5), jnp.float32)], axis=1)


def _full(x):
    return pl.BlockSpec(x.shape, lambda b: (0,) * x.ndim)


def _batched(shape):
    nd = len(shape)
    return pl.BlockSpec((1,) + shape, lambda b, _nd=nd: (b,) + (0,) * _nd)


def kernel(xyz, features, sample_inds, sa_w1, sa_g1, sa_b1, sa_w2, sa_g2, sa_b2,
           sa_w3, sa_g3, sa_b3, c1_w, c1_b, bn1_g, bn1_b, c2_w, c2_b, bn2_g,
           bn2_b, gat_W, gat_a, gat_Wo, gat_ao, c3_w, c3_b):
    f32 = jnp.float32
    xyz = xyz.astype(f32)
    xyz_pad = jnp.concatenate([xyz, jnp.zeros((B, N, 13), f32)], axis=2)
    inds_row = sample_inds.astype(f32).reshape(B, 1, S)
    w1xT = jnp.concatenate([jnp.transpose(sa_w1[:, :3]).astype(f32),
                            jnp.zeros((13, 128), f32)], axis=0)
    w1f = sa_w1[:, 3:].astype(f32)

    featf = features.astype(f32)
    nh = B

    def _stage_a(sl):
        return pl.pallas_call(
            _kernel_a,
            grid=(nh,),
            in_specs=[_batched((N, 16)), _batched((C, N)),
                      _batched((1, S)), _full(w1xT), _full(w1f)],
            out_specs=[_batched((S, NSAMPLE)), _batched((S, S)),
                       _batched((N, 128)), _batched((S, 128)),
                       _batched((S, 16))],
            out_shape=[jax.ShapeDtypeStruct((nh, S, NSAMPLE), jnp.int32),
                       jax.ShapeDtypeStruct((nh, S, S), f32),
                       jax.ShapeDtypeStruct((nh, N, 128), f32),
                       jax.ShapeDtypeStruct((nh, S, 128), f32),
                       jax.ShapeDtypeStruct((nh, S, 16), f32)],
        )(xyz_pad[sl], featf[sl], inds_row[sl], w1xT, w1f)

    gi1, adj1, p1, q1, cpad1 = _stage_a(slice(0, nh))
    pg1 = _sc_gather_rows(p1.reshape(nh * N, 128), gi1.reshape(-1), 256)

    r1 = lambda a: a.astype(f32).reshape(1, -1)
    tr = lambda a: jnp.transpose(a.astype(f32))
    c3T = jnp.concatenate([tr(c3_w), jnp.zeros((128, 128 - OUT_CH), f32)], axis=1)
    c3b = jnp.concatenate([c3_b.astype(f32),
                           jnp.zeros((128 - OUT_CH,), f32)]).reshape(1, -1)
    gatWcat = jnp.transpose(gat_W.astype(f32), (1, 0, 2)).reshape(128,
                                                                  NHEADS * NHID)
    ga = gat_a.astype(f32)
    eye4 = jnp.eye(NHEADS, dtype=f32)
    gatA1 = (eye4[:, None, :] * ga[:, :NHID, None]).reshape(NHEADS * NHID,
                                                            NHEADS)
    gatA2 = (eye4[:, None, :] * ga[:, NHID:, None]).reshape(NHEADS * NHID,
                                                            NHEADS)
    gao = gat_ao.astype(f32)
    wargs = (r1(sa_g1), r1(sa_b1), tr(sa_w2), r1(sa_g2), r1(sa_b2), tr(sa_w3),
             r1(sa_g3), r1(sa_b3), tr(c1_w), r1(c1_b), r1(bn1_g), r1(bn1_b),
             tr(c2_w), r1(c2_b), r1(bn2_g), r1(bn2_b), gatWcat, gatA1, gatA2,
             gat_Wo.astype(f32), gao[:128].reshape(128, 1),
             gao[128:].reshape(128, 1), c3T, c3b)

    def _stage_b(pg, q, adjmask, cpad):
        return pl.pallas_call(
            _kernel_b,
            grid=(nh,),
            in_specs=[_batched((S * NSAMPLE, 128)), _batched((S, 128)),
                      _batched((S, S)), _batched((S, 16))]
                     + [_full(w) for w in wargs],
            out_specs=[_batched((S, 128)), _batched((S, 8))],
            out_shape=[jax.ShapeDtypeStruct((nh, S, 128), f32),
                       jax.ShapeDtypeStruct((nh, S, 8), f32)],
        )(pg, q, adjmask, cpad, *wargs)

    net3, ctr = _stage_b(pg1.reshape(nh, S * NSAMPLE, 128), q1, adj1, cpad1)
    return jnp.concatenate([net3[:, :, :OUT_CH], ctr[:, :, :3]], axis=2)

# --- scband reference (transcript-rebuilt; emitter-appended) ---
"""Pipeline reference for scband-proposal-module-80805514707052 (READ-ONLY COPY).

The authoritative reference and input builder live on the scoring server;
editing this copy changes nothing except your own understanding.
"""

import jax, jax.numpy as jnp
import numpy as np

B, N, C = 8, 1024, 256
S = 256
NUM_CLASS = 18; NUM_HEADING_BIN = 12; NUM_SIZE_CLUSTER = 18
OUT_CH = 2 + 3 + NUM_HEADING_BIN * 2 + NUM_SIZE_CLUSTER * 4 + NUM_CLASS
RADIUS = 0.3; NSAMPLE = 16; NHEADS = 4; NHID = 128


def setup_inputs(seed: int = 0):
    key = jax.random.key(seed)
    ks = jax.random.split(key, 16)
    sc = 0.1
    inp = {}
    inp['xyz'] = jax.random.uniform(ks[0], (B, N, 3), dtype=jnp.float32)
    inp['features'] = jax.random.normal(ks[1], (B, C, N), dtype=jnp.float32)
    inp['sample_inds'] = jax.random.randint(ks[2], (B, S), 0, N)
    inp['sa_w1'] = jax.random.normal(ks[3], (128, C + 3)) * sc
    inp['sa_g1'] = jnp.ones((128,)); inp['sa_b1'] = jnp.zeros((128,))
    inp['sa_w2'] = jax.random.normal(ks[4], (128, 128)) * sc
    inp['sa_g2'] = jnp.ones((128,)); inp['sa_b2'] = jnp.zeros((128,))
    inp['sa_w3'] = jax.random.normal(ks[5], (128, 128)) * sc
    inp['sa_g3'] = jnp.ones((128,)); inp['sa_b3'] = jnp.zeros((128,))
    inp['c1_w'] = jax.random.normal(ks[6], (128, 128)) * sc; inp['c1_b'] = jnp.zeros((128,))
    inp['bn1_g'] = jnp.ones((128,)); inp['bn1_b'] = jnp.zeros((128,))
    inp['c2_w'] = jax.random.normal(ks[7], (128, 128)) * sc; inp['c2_b'] = jnp.zeros((128,))
    inp['bn2_g'] = jnp.ones((128,)); inp['bn2_b'] = jnp.zeros((128,))
    inp['gat_W'] = jax.random.normal(ks[8], (NHEADS, 128, NHID)) * sc
    inp['gat_a'] = jax.random.normal(ks[9], (NHEADS, 2 * NHID)) * sc
    inp['gat_Wo'] = jax.random.normal(ks[10], (NHEADS * NHID, 128)) * sc
    inp['gat_ao'] = jax.random.normal(ks[11], (2 * 128,)) * sc
    inp['c3_w'] = jax.random.normal(ks[12], (OUT_CH, 128)) * sc; inp['c3_b'] = jnp.zeros((OUT_CH,))
    return inp


def _gat_layer(x, W, a, adj):
    Wh = x @ W
    Fp = W.shape[1]
    e = (Wh @ a[:Fp])[:, :, None] + (Wh @ a[Fp:])[:, None, :]
    e = jnp.where(e > 0, e, 0.2 * e)
    e = jnp.where(adj > 0, e, -9e15)
    att = jax.nn.softmax(e, axis=-1)
    return jnp.einsum('bij,bjf->bif', att, Wh)


def _forward(xyz, features, sa_w1, sa_g1, sa_b1, sa_w2, sa_g2, sa_b2, sa_w3, sa_g3, sa_b3,
             c1_w, c1_b, bn1_g, bn1_b, c2_w, c2_b, bn2_g, bn2_b,
             gat_W, gat_a, gat_Wo, gat_ao, c3_w, c3_b, sample_inds):
    bn_eps = 1e-5
    # vote aggregation (PointnetSAModuleVotes with provided sample_inds): gather centers
    new_xyz = jnp.take_along_axis(xyz, sample_inds[:, :, None].astype(jnp.int32), axis=1)
    # ball query: first NSAMPLE points within RADIUS (self always included)
    dist2 = jnp.sum((new_xyz[:, :, None, :] - xyz[:, None, :, :]) ** 2, axis=-1)
    cand = jnp.where(dist2 < RADIUS ** 2, jnp.arange(N)[None, None, :], N)
    gi = jnp.sort(cand, axis=-1)[:, :, :NSAMPLE]
    gi = jnp.where(gi == N, gi[:, :, :1], gi)
    b_ix = jnp.arange(B)[:, None, None]
    grouped_xyz = (xyz[b_ix, gi] - new_xyz[:, :, None, :]) / RADIUS  # normalize_xyz
    grouped_feats = jnp.transpose(features, (0, 2, 1))[b_ix, gi]
    h = jnp.concatenate([grouped_xyz, grouped_feats], axis=-1)  # use_xyz
    for W, g, bta in ((sa_w1, sa_g1, sa_b1), (sa_w2, sa_g2, sa_b2), (sa_w3, sa_g3, sa_b3)):
        h = jnp.einsum('bsnc,oc->bsno', h, W)
        h = g * h / jnp.sqrt(1.0 + bn_eps) + bta
        h = jax.nn.relu(h)
    feat = jnp.max(h, axis=2)  # [B,S,128] aggregated features
    net = jnp.einsum('bsc,oc->bso', feat, c1_w) + c1_b
    net = jax.nn.relu(bn1_g * net / jnp.sqrt(1.0 + bn_eps) + bn1_b)
    net = jnp.einsum('bsc,oc->bso', net, c2_w) + c2_b
    net = jax.nn.relu(bn2_g * net / jnp.sqrt(1.0 + bn_eps) + bn2_b)
    # get_adj_mtx: knn-16 adjacency on aggregated_vote_xyz, symmetrized, D^-1 A, diag set to 1
    Dm = jnp.linalg.norm(new_xyz[:, :, None, :] - new_xyz[:, None, :, :], axis=-1)
    idx = jnp.argsort(Dm, axis=2)[:, :, :16]
    r_ix = jnp.arange(S)[None, :, None]
    A = jnp.zeros((B, S, S), jnp.float32).at[b_ix, r_ix, idx].set(1.0)
    A = ((A + jnp.transpose(A, (0, 2, 1))) != 0).astype(jnp.float32)
    eps = float(np.finfo(float).eps)
    A = (1.0 / (A.sum(2) + eps))[:, :, None] * A
    d = jnp.diagonal(A, axis1=-2, axis2=-1)
    A = A - (d - 1.0)[:, :, None] * jnp.eye(S, dtype=jnp.float32)
    # GAT(128,128,128,dropout,0.2,4): dropout is identity in eval mode
    heads = [jax.nn.elu(_gat_layer(net, gat_W[i], gat_a[i], A)) for i in range(NHEADS)]
    hcat = jnp.concatenate(heads, axis=-1)
    gat_out = jax.nn.elu(_gat_layer(hcat, gat_Wo, gat_ao, A))
    net3 = jnp.einsum('bsc,oc->bso', gat_out, c3_w) + c3_b  # conv3, transposed: [B,S,119]
    center = new_xyz + net3[:, :, 2:5]  # decode_scores center
    return jnp.concatenate([net3, center], axis=-1)


def reference(xyz, features, sample_inds, sa_w1, sa_g1, sa_b1, sa_w2, sa_g2, sa_b2, sa_w3, sa_g3, sa_b3,
              c1_w, c1_b, bn1_g, bn1_b, c2_w, c2_b, bn2_g, bn2_b,
              gat_W, gat_a, gat_Wo, gat_ao, c3_w, c3_b):
    return _forward(xyz, features, sa_w1, sa_g1, sa_b1, sa_w2, sa_g2, sa_b2, sa_w3, sa_g3, sa_b3,
                    c1_w, c1_b, bn1_g, bn1_b, c2_w, c2_b, bn2_g, bn2_b,
                    gat_W, gat_a, gat_Wo, gat_ao, c3_w, c3_b, sample_inds)

if __name__ == "__main__":
    import jax
    _d = setup_inputs()
    print(jax.jit(kernel)(*tuple(_d.values())))

</pallas_src>

<mosaic_0001>
#map = affine_map<(d0, d1) -> (0, 0)>
module attributes {stable_mosaic.version = 14 : i64} {
  func.func @k(%arg0: i32, %arg1: i32, %arg2: memref<8192x128xf32, #tpu.memory_space<hbm>>, %arg3: memref<1x32768xi32, #tpu.memory_space<hbm>>, %arg4: memref<32768x128xf32, #tpu.memory_space<hbm>>) attributes {dimension_semantics = [#tpu.dimension_semantics<core_parallel>, #tpu.dimension_semantics<subcore_parallel>], iteration_bounds = array<i64: 2, 16>, scalar_prefetch = 0 : i64, scratch_operands = 0 : i64, tpu.core_type = #tpu.core_type<sc_vector_subcore>, window_params = [{transform_indices = #map}, {transform_indices = #map}, {transform_indices = #map}]} {
    %mul3A = arith.constant 1 : i32
    %mul3A_0 = arith.muli %arg1, %mul3A : i32
    %add3A = arith.constant 0 : i32
    %add3A_1 = arith.addi %add3A, %mul3A_0 : i32
    %mul3A_2 = arith.constant 16 : i32
    %mul3A_3 = arith.muli %arg0, %mul3A_2 : i32
    %add3A_4 = arith.addi %add3A_1, %mul3A_3 : i32
    %mul3A_5 = arith.constant 4 : i32
    %mul3A_6 = arith.muli %add3A_4, %mul3A_5 : i32
    "tpu.region"() ({
      %run_scoped3A = memref.alloca() : memref<2x1x256xi32, #tpu.memory_space<vmem>>
      %run_scoped3A_7 = tpu.sem_alloc : memref<2x!tpu.dma_semaphore, #tpu.memory_space<semaphore_mem>>
      %run_scoped3A_8 = memref.alloca() : memref<2x256x128xf32, #tpu.memory_space<vmem>>
      %run_scoped3A_9 = tpu.sem_alloc : memref<2x!tpu.dma_semaphore, #tpu.memory_space<semaphore_mem>>
      %add3A_10 = arith.constant 0 : i32
      %add3A_11 = arith.addi %add3A_10, %mul3A_6 : i32
      %select_n3A = arith.constant true
      %select_n3A_12 = arith.constant 0 : i32
      %select_n3A_13 = arith.constant -1 : i32
      %select_n3A_14 = arith.select %select_n3A, %select_n3A_13, %select_n3A_12 : i32
      %eq3A = arith.constant -1 : i32
      %eq3A_15 = arith.cmpi eq, %select_n3A_14, %eq3A : i32
      %select_n3A_16 = arith.constant 3 : i32
      %select_n3A_17 = arith.select %eq3A_15, %select_n3A_16, %select_n3A_14 : i32
      %add3A_18 = arith.addi %select_n3A_17, %mul3A_6 : i32
      %select_n3A_19 = arith.constant true
      %select_n3A_20 = arith.constant 0 : i32
      %select_n3A_21 = arith.constant 1 : i32
      %select_n3A_22 = arith.select %select_n3A_19, %select_n3A_21, %select_n3A_20 : i32
      %eq3A_23 = arith.constant 4 : i32
      %eq3A_24 = arith.cmpi eq, %select_n3A_22, %eq3A_23 : i32
      %select_n3A_25 = arith.constant 0 : i32
      %select_n3A_26 = arith.select %eq3A_24, %select_n3A_25, %select_n3A_22 : i32
      %add3A_27 = arith.addi %select_n3A_26, %mul3A_6 : i32
      %add3A_28 = arith.constant 1 : i32
      %add3A_29 = arith.addi %select_n3A_26, %add3A_28 : i32
      %select_n3A_30 = arith.constant true
      %select_n3A_31 = arith.select %select_n3A_30, %add3A_29, %select_n3A_26 : i32
      %eq3A_32 = arith.constant 4 : i32
      %eq3A_33 = arith.cmpi eq, %select_n3A_31, %eq3A_32 : i32
      %select_n3A_34 = arith.constant 0 : i32
      %select_n3A_35 = arith.select %eq3A_33, %select_n3A_34, %select_n3A_31 : i32
      %add3A_36 = arith.addi %select_n3A_35, %mul3A_6 : i32
      "tpu.trace_start"() <{level = 10 : i32, message = "ep_initialize_0"}> : () -> ()
      %rem3A = arith.constant 0 : i32
      %rem3A_37 = arith.constant 2 : i32
      %rem3A_38 = arith.remui %rem3A, %rem3A_37 : i32
      %mul3A_39 = arith.constant 256 : i32
      %mul3A_40 = arith.muli %mul3A_39, %add3A_11 : i32
      %dma_start3A = arith.constant 0 : i32
      %dma_start3A_41 = arith.constant 0 : i32
      %dma_start3A_42 = tpu.memref_slice %run_scoped3A[%rem3A_38, %dma_start3A, %dma_start3A_41] : memref<2x1x256xi32, #tpu.memory_space<vmem>> -> memref<1x1x256xi32, #tpu.memory_space<vmem>>
      %dma_start3A_43 = tpu.memref_squeeze %dma_start3A_42 : memref<1x1x256xi32, #tpu.memory_space<vmem>> -> memref<1x256xi32, #tpu.memory_space<vmem>>
      %dma_start3A_44 = arith.constant 0 : i32
      %dma_start3A_45 = tpu.memref_slice %arg3[%dma_start3A_44, %mul3A_40] : memref<1x32768xi32, #tpu.memory_space<hbm>> -> memref<1x256xi32, #tpu.memory_space<hbm>>
      %dma_start3A_46 = tpu.memref_slice %run_scoped3A_7[%rem3A_38] : memref<2x!tpu.dma_semaphore, #tpu.memory_space<semaphore_mem>> -> memref<1x!tpu.dma_semaphore, #tpu.memory_space<semaphore_mem>>
      %dma_start3A_47 = tpu.memref_squeeze %dma_start3A_46 : memref<1x!tpu.dma_semaphore, #tpu.memory_space<semaphore_mem>> -> memref<!tpu.dma_semaphore, #tpu.memory_space<semaphore_mem>>
      %dma_start3A_48 = arith.constant 0 : i32
      %dma_start3A_49 = arith.constant 0 : i32
      %dma_start3A_50 = tpu.memref_slice %run_scoped3A[%rem3A_38, %dma_start3A_48, %dma_start3A_49] : memref<2x1x256xi32, #tpu.memory_space<vmem>> -> memref<1x1x256xi32, #tpu.memory_space<vmem>>
      %dma_start3A_51 = tpu.memref_squeeze %dma_start3A_50 : memref<1x1x256xi32, #tpu.memory_space<vmem>> -> memref<1x256xi32, #tpu.memory_space<vmem>>
      %dma_start3A_52 = arith.constant 0 : i32
      %dma_start3A_53 = tpu.memref_slice %arg3[%dma_start3A_52, %mul3A_40] : memref<1x32768xi32, #tpu.memory_space<hbm>> -> memref<1x256xi32, #tpu.memory_space<hbm>>
      tpu.enqueue_dma source(%dma_start3A_53 : memref<1x256xi32, #tpu.memory_space<hbm>>) target(%dma_start3A_51 : memref<1x256xi32, #tpu.memory_space<vmem>>) target_semaphore(%dma_start3A_47 : memref<!tpu.dma_semaphore, #tpu.memory_space<semaphore_mem>>)
      %add3A_54 = arith.constant 0 : i32
      %add3A_55 = arith.constant 1 : i32
      %add3A_56 = arith.addi %add3A_54, %add3A_55 : i32
      %select_n3A_57 = arith.constant true
      %select_n3A_58 = arith.constant 0 : i32
      %select_n3A_59 = arith.select %select_n3A_57, %add3A_56, %select_n3A_58 : i32
      "tpu.trace_stop"() : () -> ()
      %scan3A = arith.constant 0 : i32
      %scan3A_60 = arith.constant 0 : i32
      %scan3A_61 = arith.constant 0 : i32
      %scan3A_62 = arith.constant 0 : i32
      %scan3A_63 = arith.constant 0 : i32
      %scan3A_64 = arith.constant 4 : i32
      %scan3A_65 = arith.addi %scan3A_63, %scan3A_64 : i32
      %scan3A_66 = arith.constant 1 : i32
      %scan3A_67:5 = scf.for %scan3A_121 = %scan3A_63 to %scan3A_65 step %scan3A_66 iter_args(%scan3A_122 = %select_n3A_59, %scan3A_123 = %scan3A, %scan3A_124 = %scan3A_60, %scan3A_125 = %scan3A_61, %scan3A_126 = %scan3A_62) -> (i32, i32, i32, i32, i32)  : i32 {
        %eq3A_127 = arith.constant 0 : i32
        %eq3A_128 = arith.cmpi eq, %scan3A_121, %eq3A_127 : i32
        %eq3A_129 = arith.constant 3 : i32
        %eq3A_130 = arith.cmpi eq, %scan3A_121, %eq3A_129 : i32
        %add3A_131 = arith.addi %scan3A_126, %mul3A_6 : i32
        %sub3A_132 = arith.constant 1 : i32
        %sub3A_133 = arith.subi %scan3A_126, %sub3A_132 : i32
        %select_n3A_134 = arith.constant true
        %select_n3A_135 = arith.select %select_n3A_134, %sub3A_133, %scan3A_126 : i32
        %eq3A_136 = arith.constant -1 : i32
        %eq3A_137 = arith.cmpi eq, %select_n3A_135, %eq3A_136 : i32
        %select_n3A_138 = arith.constant 3 : i32
        %select_n3A_139 = arith.select %eq3A_137, %select_n3A_138, %select_n3A_135 : i32
        %add3A_140 = arith.addi %select_n3A_139, %mul3A_6 : i32
        %add3A_141 = arith.constant 1 : i32
        %add3A_142 = arith.addi %scan3A_126, %add3A_141 : i32
        %select_n3A_143 = arith.constant true
        %select_n3A_144 = arith.select %select_n3A_143, %add3A_142, %scan3A_126 : i32
        %eq3A_145 = arith.constant 4 : i32
        %eq3A_146 = arith.cmpi eq, %select_n3A_144, %eq3A_145 : i32
        %select_n3A_147 = arith.constant 0 : i32
        %select_n3A_148 = arith.select %eq3A_146, %select_n3A_147, %select_n3A_144 : i32
        %add3A_149 = arith.addi %select_n3A_148, %mul3A_6 : i32
        %add3A_150 = arith.constant 1 : i32
        %add3A_151 = arith.addi %select_n3A_148, %add3A_150 : i32
        %select_n3A_152 = arith.constant true
        %select_n3A_153 = arith.select %select_n3A_152, %add3A_151, %select_n3A_148 : i32
        %eq3A_154 = arith.constant 4 : i32
        %eq3A_155 = arith.cmpi eq, %select_n3A_153, %eq3A_154 : i32
        %select_n3A_156 = arith.constant 0 : i32
        %select_n3A_157 = arith.select %eq3A_155, %select_n3A_156, %select_n3A_153 : i32
        %add3A_158 = arith.addi %select_n3A_157, %mul3A_6 : i32
        %ne3A = arith.cmpi ne, %add3A_131, %add3A_149 : i32
        %or3A = arith.constant false
        %or3A_159 = arith.ori %or3A, %ne3A : i1
        %ge3A = arith.constant 3 : i32
        %ge3A_160 = arith.cmpi sge, %scan3A_121, %ge3A : i32
        %not3A = arith.constant true
        %not3A_161 = arith.xori %ge3A_160, %not3A : i1
        %and3A = arith.andi %or3A_159, %not3A_161 : i1
        %convert_element_type3A = arith.extui %and3A : i1 to i32
        %cond3A = arith.constant 0 : i32
        %cond3A_162 = arith.cmpi ne, %convert_element_type3A, %cond3A : i32
        scf.if %cond3A_162 {
          "tpu.trace_start"() <{level = 10 : i32, message = "ep_copy_in"}> : () -> ()
          %rem3A_264 = arith.constant 2 : i32
          %rem3A_265 = arith.remui %scan3A_122, %rem3A_264 : i32
          %mul3A_266 = arith.constant 256 : i32
          %mul3A_267 = arith.muli %mul3A_266, %add3A_149 : i32
          %dma_start3A_268 = arith.constant 0 : i32
          %dma_start3A_269 = arith.constant 0 : i32
          %dma_start3A_270 = tpu.memref_slice %run_scoped3A[%rem3A_265, %dma_start3A_268, %dma_start3A_269] : memref<2x1x256xi32, #tpu.memory_space<vmem>> -> memref<1x1x256xi32, #tpu.memory_space<vmem>>
          %dma_start3A_271 = tpu.memref_squeeze %dma_start3A_270 : memref<1x1x256xi32, #tpu.memory_space<vmem>> -> memref<1x256xi32, #tpu.memory_space<vmem>>
          %dma_start3A_272 = arith.constant 0 : i32
          %dma_start3A_273 = tpu.memref_slice %arg3[%dma_start3A_272, %mul3A_267] : memref<1x32768xi32, #tpu.memory_space<hbm>> -> memref<1x256xi32, #tpu.memory_space<hbm>>
          %dma_start3A_274 = tpu.memref_slice %run_scoped3A_7[%rem3A_265] : memref<2x!tpu.dma_semaphore, #tpu.memory_space<semaphore_mem>> -> memref<1x!tpu.dma_semaphore, #tpu.memory_space<semaphore_mem>>
          %dma_start3A_275 = tpu.memref_squeeze %dma_start3A_274 : memref<1x!tpu.dma_semaphore, #tpu.memory_space<semaphore_mem>> -> memref<!tpu.dma_semaphore, #tpu.memory_space<semaphore_mem>>
          %dma_start3A_276 = arith.constant 0 : i32
          %dma_start3A_277 = arith.constant 0 : i32
          %dma_start3A_278 = tpu.memref_slice %run_scoped3A[%rem3A_265, %dma_start3A_276, %dma_start3A_277] : memref<2x1x256xi32, #tpu.memory_space<vmem>> -> memref<1x1x256xi32, #tpu.memory_space<vmem>>
          %dma_start3A_279 = tpu.memref_squeeze %dma_start3A_278 : memref<1x1x256xi32, #tpu.memory_space<vmem>> -> memref<1x256xi32, #tpu.memory_space<vmem>>
          %dma_start3A_280 = arith.constant 0 : i32
          %dma_start3A_281 = tpu.memref_slice %arg3[%dma_start3A_280, %mul3A_267] : memref<1x32768xi32, #tpu.memory_space<hbm>> -> memref<1x256xi32, #tpu.memory_space<hbm>>
          tpu.enqueue_dma source(%dma_start3A_281 : memref<1x256xi32, #tpu.memory_space<hbm>>) target(%dma_start3A_279 : memref<1x256xi32, #tpu.memory_space<vmem>>) target_semaphore(%dma_start3A_275 : memref<!tpu.dma_semaphore, #tpu.memory_space<semaphore_mem>>)
          "tpu.trace_stop"() : () -> ()
        } else {
        }
        %and3A_163 = arith.constant true
        %and3A_164 = arith.andi %and3A, %and3A_163 : i1
        %add3A_165 = arith.constant 1 : i32
        %add3A_166 = arith.addi %scan3A_122, %add3A_165 : i32
        %select_n3A_167 = arith.select %and3A_164, %add3A_166, %scan3A_122 : i32
        %ne3A_168 = arith.cmpi ne, %add3A_131, %add3A_149 : i32
        %or3A_169 = arith.constant false
        %or3A_170 = arith.ori %or3A_169, %ne3A_168 : i1
        %or3A_171 = arith.constant false
        %or3A_172 = arith.ori %or3A_170, %or3A_171 : i1
        %ge3A_173 = arith.constant 3 : i32
        %ge3A_174 = arith.cmpi sge, %scan3A_121, %ge3A_173 : i32
        %not3A_175 = arith.constant true
        %not3A_176 = arith.xori %ge3A_174, %not3A_175 : i1
        %and3A_177 = arith.andi %or3A_172, %not3A_176 : i1
        %ne3A_178 = arith.cmpi ne, %add3A_131, %add3A_140 : i32
        %or3A_179 = arith.constant false
        %or3A_180 = arith.ori %or3A_179, %ne3A_178 : i1
        %or3A_181 = arith.ori %or3A_180, %eq3A_128 : i1
        %convert_element_type3A_182 = arith.extui %or3A_181 : i1 to i32
        %cond3A_183 = arith.constant 0 : i32
        %cond3A_184 = arith.cmpi ne, %convert_element_type3A_182, %cond3A_183 : i32
        scf.if %cond3A_184 {
          "tpu.trace_start"() <{level = 10 : i32, message = "ep_wait_in"}> : () -> ()
          %mul3A_264 = arith.constant 256 : i32
          %mul3A_265 = arith.muli %mul3A_264, %add3A_131 : i32
          %rem3A_266 = arith.constant 2 : i32
          %rem3A_267 = arith.remui %scan3A_123, %rem3A_266 : i32
          %dma_wait3A_268 = arith.constant 0 : i32
          %dma_wait3A_269 = arith.constant 0 : i32
          %dma_wait3A_270 = tpu.memref_slice %run_scoped3A[%rem3A_267, %dma_wait3A_268, %dma_wait3A_269] : memref<2x1x256xi32, #tpu.memory_space<vmem>> -> memref<1x1x256xi32, #tpu.memory_space<vmem>>
          %dma_wait3A_271 = tpu.memref_squeeze %dma_wait3A_270 : memref<1x1x256xi32, #tpu.memory_space<vmem>> -> memref<1x256xi32, #tpu.memory_space<vmem>>
          %dma_wait3A_272 = arith.constant 0 : i32
          %dma_wait3A_273 = tpu.memref_slice %arg3[%dma_wait3A_272, %mul3A_265] : memref<1x32768xi32, #tpu.memory_space<hbm>> -> memref<1x256xi32, #tpu.memory_space<hbm>>
          %dma_wait3A_274 = tpu.memref_slice %run_scoped3A_7[%rem3A_267] : memref<2x!tpu.dma_semaphore, #tpu.memory_space<semaphore_mem>> -> memref<1x!tpu.dma_semaphore, #tpu.memory_space<semaphore_mem>>
          %dma_wait3A_275 = tpu.memref_squeeze %dma_wait3A_274 : memref<1x!tpu.dma_semaphore, #tpu.memory_space<semaphore_mem>> -> memref<!tpu.dma_semaphore, #tpu.memory_space<semaphore_mem>>
          %dma_wait3A_276 = arith.constant 0 : i32
          %dma_wait3A_277 = arith.constant 0 : i32
          %dma_wait3A_278 = tpu.memref_slice %run_scoped3A[%rem3A_267, %dma_wait3A_276, %dma_wait3A_277] : memref<2x1x256xi32, #tpu.memory_space<vmem>> -> memref<1x1x256xi32, #tpu.memory_space<vmem>>
          %dma_wait3A_279 = tpu.memref_squeeze %dma_wait3A_278 : memref<1x1x256xi32, #tpu.memory_space<vmem>> -> memref<1x256xi32, #tpu.memory_space<vmem>>
          %dma_wait3A_280 = arith.constant 0 : i32
          %dma_wait3A_281 = tpu.memref_slice %arg3[%dma_wait3A_280, %mul3A_265] : memref<1x32768xi32, #tpu.memory_space<hbm>> -> memref<1x256xi32, #tpu.memory_space<hbm>>
          tpu.wait_dma2 semaphore(%dma_wait3A_275 : memref<!tpu.dma_semaphore, #tpu.memory_space<semaphore_mem>>) src(%dma_wait3A_281 : memref<1x256xi32, #tpu.memory_space<hbm>>) dst(%dma_wait3A_279 : memref<1x256xi32, #tpu.memory_space<vmem>>)
          "tpu.trace_stop"() : () -> ()
        } else {
        }
        %ne3A_185 = arith.cmpi ne, %add3A_131, %add3A_140 : i32
        %or3A_186 = arith.constant false
        %or3A_187 = arith.ori %or3A_186, %ne3A_185 : i1
        %or3A_188 = arith.constant false
        %or3A_189 = arith.ori %or3A_187, %or3A_188 : i1
        %or3A_190 = arith.ori %or3A_189, %eq3A_128 : i1
        %convert_element_type3A_191 = arith.extui %or3A_190 : i1 to i32
        %cond3A_192 = arith.constant 0 : i32
        %cond3A_193 = arith.cmpi ne, %convert_element_type3A_191, %cond3A_192 : i32
        scf.if %cond3A_193 {
        } else {
        }
        %rem3A_194 = arith.constant 2 : i32
        %rem3A_195 = arith.remui %scan3A_123, %rem3A_194 : i32
        %rem3A_196 = arith.constant 2 : i32
        %rem3A_197 = arith.remui %scan3A_124, %rem3A_196 : i32
        %run_scoped3A_198 = arith.constant 0 : i32
        "tpu.trace_start"() <{level = 10 : i32, message = "ep_run_kernel"}> : () -> ()
        "tpu.region"() ({
          %run_scoped3A_264 = tpu.sem_alloc : memref<!tpu.dma_semaphore, #tpu.memory_space<semaphore_mem>>
          %dma_start3A_265 = arith.constant 0 : i32
          %dma_start3A_266 = arith.constant 0 : i32
          %dma_start3A_267 = tpu.memref_slice %run_scoped3A_8[%rem3A_197, %dma_start3A_265, %dma_start3A_266] : memref<2x256x128xf32, #tpu.memory_space<vmem>> -> memref<1x256x128xf32, #tpu.memory_space<vmem>>
          %dma_start3A_268 = tpu.memref_squeeze %dma_start3A_267 : memref<1x256x128xf32, #tpu.memory_space<vmem>> -> memref<256x128xf32, #tpu.memory_space<vmem>>
          %dma_start3A_269 = arith.constant 0 : i32
          %dma_start3A_270 = arith.constant 0 : i32
          %dma_start3A_271 = tpu.memref_slice %run_scoped3A[%rem3A_195, %dma_start3A_269, %dma_start3A_270] : memref<2x1x256xi32, #tpu.memory_space<vmem>> -> memref<1x1x256xi32, #tpu.memory_space<vmem>>
          %dma_start3A_272 = tpu.memref_squeeze %dma_start3A_271 : memref<1x1x256xi32, #tpu.memory_space<vmem>> -> memref<1x256xi32, #tpu.memory_space<vmem>>
          %dma_start3A_273 = arith.constant 0 : i32
          %dma_start3A_274 = tpu.memref_slice %dma_start3A_272[%run_scoped3A_198, %dma_start3A_273] : memref<1x256xi32, #tpu.memory_space<vmem>> -> memref<1x256xi32, #tpu.memory_space<vmem>>
          %dma_start3A_275 = tpu.memref_squeeze %dma_start3A_274 : memref<1x256xi32, #tpu.memory_space<vmem>> -> memref<256xi32, #tpu.memory_space<vmem>>
          %dma_start3A_276 = arith.constant 0 : i32
          %dma_start3A_277 = arith.constant 0 : i32
          %dma_start3A_278 = tpu.memref_slice %arg2[%dma_start3A_276, %dma_start3A_277] : memref<8192x128xf32, #tpu.memory_space<hbm>> -> memref<8192x128xf32, #tpu.memory_space<hbm>>
          tpu.enqueue_indirect_dma source(%dma_start3A_278 : memref<8192x128xf32, #tpu.memory_space<hbm>>) target(%dma_start3A_268 : memref<256x128xf32, #tpu.memory_space<vmem>>) offsets(%dma_start3A_275 : memref<256xi32, #tpu.memory_space<vmem>>) semaphore(%run_scoped3A_264 : memref<!tpu.dma_semaphore, #tpu.memory_space<semaphore_mem>>)
          %dma_wait3A_279 = arith.constant 0 : i32
          %dma_wait3A_280 = arith.constant 0 : i32
          %dma_wait3A_281 = tpu.memref_slice %run_scoped3A_8[%rem3A_197, %dma_wait3A_279, %dma_wait3A_280] : memref<2x256x128xf32, #tpu.memory_space<vmem>> -> memref<1x256x128xf32, #tpu.memory_space<vmem>>
          %dma_wait3A_282 = tpu.memref_squeeze %dma_wait3A_281 : memref<1x256x128xf32, #tpu.memory_space<vmem>> -> memref<256x128xf32, #tpu.memory_space<vmem>>
          %dma_wait3A_283 = arith.constant 0 : i32
          %dma_wait3A_284 = arith.constant 0 : i32
          %dma_wait3A_285 = tpu.memref_slice %run_scoped3A[%rem3A_195, %dma_wait3A_283, %dma_wait3A_284] : memref<2x1x256xi32, #tpu.memory_space<vmem>> -> memref<1x1x256xi32, #tpu.memory_space<vmem>>
          %dma_wait3A_286 = tpu.memref_squeeze %dma_wait3A_285 : memref<1x1x256xi32, #tpu.memory_space<vmem>> -> memref<1x256xi32, #tpu.memory_space<vmem>>
          %dma_wait3A_287 = arith.constant 0 : i32
          %dma_wait3A_288 = tpu.memref_slice %dma_wait3A_286[%run_scoped3A_198, %dma_wait3A_287] : memref<1x256xi32, #tpu.memory_space<vmem>> -> memref<1x256xi32, #tpu.memory_space<vmem>>
          %dma_wait3A_289 = tpu.memref_squeeze %dma_wait3A_288 : memref<1x256xi32, #tpu.memory_space<vmem>> -> memref<256xi32, #tpu.memory_space<vmem>>
          %dma_wait3A_290 = arith.constant 0 : i32
          %dma_wait3A_291 = arith.constant 0 : i32
          %dma_wait3A_292 = tpu.memref_slice %arg2[%dma_wait3A_290, %dma_wait3A_291] : memref<8192x128xf32, #tpu.memory_space<hbm>> -> memref<8192x128xf32, #tpu.memory_space<hbm>>
          tpu.wait_indirect_dma semaphore(%run_scoped3A_264 : memref<!tpu.dma_semaphore, #tpu.memory_space<semaphore_mem>>) src(%dma_wait3A_292 : memref<8192x128xf32, #tpu.memory_space<hbm>>) dst(%dma_wait3A_282 : memref<256x128xf32, #tpu.memory_space<vmem>>)
          tpu.yield
        }) : () -> ()
        "tpu.trace_stop"() : () -> ()
        %ne3A_199 = arith.cmpi ne, %add3A_131, %add3A_149 : i32
        %or3A_200 = arith.constant false
        %or3A_201 = arith.ori %or3A_200, %ne3A_199 : i1
        %or3A_202 = arith.ori %or3A_201, %eq3A_130 : i1
        %convert_element_type3A_203 = arith.extui %or3A_202 : i1 to i32
        %cond3A_204 = arith.constant 0 : i32
        %cond3A_205 = arith.cmpi ne, %convert_element_type3A_203, %cond3A_204 : i32
        scf.if %cond3A_205 {
        } else {
        }
        %and3A_206 = arith.constant false
        %and3A_207 = arith.andi %or3A_202, %and3A_206 : i1
        %ne3A_208 = arith.cmpi ne, %add3A_131, %add3A_149 : i32
        %or3A_209 = arith.constant false
        %or3A_210 = arith.ori %or3A_209, %ne3A_208 : i1
        %or3A_211 = arith.constant false
        %or3A_212 = arith.ori %or3A_210, %or3A_211 : i1
        %or3A_213 = arith.ori %or3A_212, %eq3A_130 : i1
        %convert_element_type3A_214 = arith.extui %or3A_213 : i1 to i32
        %cond3A_215 = arith.constant 0 : i32
        %cond3A_216 = arith.cmpi ne, %convert_element_type3A_214, %cond3A_215 : i32
        scf.if %cond3A_216 {
          "tpu.trace_start"() <{level = 10 : i32, message = "ep_copy_out"}> : () -> ()
          %rem3A_264 = arith.constant 2 : i32
          %rem3A_265 = arith.remui %scan3A_124, %rem3A_264 : i32
          %mul3A_266 = arith.constant 256 : i32
          %mul3A_267 = arith.muli %mul3A_266, %add3A_131 : i32
          %dma_start3A_268 = arith.constant 0 : i32
          %dma_start3A_269 = arith.constant 0 : i32
          %dma_start3A_270 = tpu.memref_slice %run_scoped3A_8[%rem3A_265, %dma_start3A_268, %dma_start3A_269] : memref<2x256x128xf32, #tpu.memory_space<vmem>> -> memref<1x256x128xf32, #tpu.memory_space<vmem>>
          %dma_start3A_271 = tpu.memref_squeeze %dma_start3A_270 : memref<1x256x128xf32, #tpu.memory_space<vmem>> -> memref<256x128xf32, #tpu.memory_space<vmem>>
          %dma_start3A_272 = arith.constant 0 : i32
          %dma_start3A_273 = tpu.memref_slice %arg4[%mul3A_267, %dma_start3A_272] : memref<32768x128xf32, #tpu.memory_space<hbm>> -> memref<256x128xf32, #tpu.memory_space<hbm>>
          %dma_start3A_274 = tpu.memref_slice %run_scoped3A_9[%rem3A_265] : memref<2x!tpu.dma_semaphore, #tpu.memory_space<semaphore_mem>> -> memref<1x!tpu.dma_semaphore, #tpu.memory_space<semaphore_mem>>
          %dma_start3A_275 = tpu.memref_squeeze %dma_start3A_274 : memref<1x!tpu.dma_semaphore, #tpu.memory_space<semaphore_mem>> -> memref<!tpu.dma_semaphore, #tpu.memory_space<semaphore_mem>>
          %dma_start3A_276 = arith.constant 0 : i32
          %dma_start3A_277 = tpu.memref_slice %arg4[%mul3A_267, %dma_start3A_276] : memref<32768x128xf32, #tpu.memory_space<hbm>> -> memref<256x128xf32, #tpu.memory_space<hbm>>
          %dma_start3A_278 = arith.constant 0 : i32
          %dma_start3A_279 = arith.constant 0 : i32
          %dma_start3A_280 = tpu.memref_slice %run_scoped3A_8[%rem3A_265, %dma_start3A_278, %dma_start3A_279] : memref<2x256x128xf32, #tpu.memory_space<vmem>> -> memref<1x256x128xf32, #tpu.memory_space<vmem>>
          %dma_start3A_281 = tpu.memref_squeeze %dma_start3A_280 : memref<1x256x128xf32, #tpu.memory_space<vmem>> -> memref<256x128xf32, #tpu.memory_space<vmem>>
          tpu.enqueue_dma source(%dma_start3A_281 : memref<256x128xf32, #tpu.memory_space<vmem>>) target(%dma_start3A_277 : memref<256x128xf32, #tpu.memory_space<hbm>>) target_semaphore(%dma_start3A_275 : memref<!tpu.dma_semaphore, #tpu.memory_space<semaphore_mem>>)
          "tpu.trace_stop"() : () -> ()
        } else {
        }
        %and3A_217 = arith.constant true
        %and3A_218 = arith.andi %or3A_213, %and3A_217 : i1
        %add3A_219 = arith.constant 1 : i32
        %add3A_220 = arith.addi %scan3A_124, %add3A_219 : i32
        %select_n3A_221 = arith.select %and3A_218, %add3A_220, %scan3A_124 : i32
        %ne3A_222 = arith.cmpi ne, %add3A_131, %add3A_140 : i32
        %or3A_223 = arith.constant false
        %or3A_224 = arith.ori %or3A_223, %ne3A_222 : i1
        %not3A_225 = arith.constant true
        %not3A_226 = arith.xori %eq3A_128, %not3A_225 : i1
        %and3A_227 = arith.andi %or3A_224, %not3A_226 : i1
        %convert_element_type3A_228 = arith.extui %and3A_227 : i1 to i32
        %cond3A_229 = arith.constant 0 : i32
        %cond3A_230 = arith.cmpi ne, %convert_element_type3A_228, %cond3A_229 : i32
        scf.if %cond3A_230 {
        } else {
        }
        %and3A_231 = arith.constant false
        %and3A_232 = arith.andi %and3A_227, %and3A_231 : i1
        %ne3A_233 = arith.cmpi ne, %add3A_131, %add3A_140 : i32
        %or3A_234 = arith.constant false
        %or3A_235 = arith.ori %or3A_234, %ne3A_233 : i1
        %or3A_236 = arith.constant false
        %or3A_237 = arith.ori %or3A_235, %or3A_236 : i1
        %not3A_238 = arith.constant true
        %not3A_239 = arith.xori %eq3A_128, %not3A_238 : i1
        %and3A_240 = arith.andi %or3A_237, %not3A_239 : i1
        %convert_element_type3A_241 = arith.extui %and3A_240 : i1 to i32
        %cond3A_242 = arith.constant 0 : i32
        %cond3A_243 = arith.cmpi ne, %convert_element_type3A_241, %cond3A_242 : i32
        scf.if %cond3A_243 {
          "tpu.trace_start"() <{level = 10 : i32, message = "ep_wait_out"}> : () -> ()
          %rem3A_264 = arith.constant 2 : i32
          %rem3A_265 = arith.remui %scan3A_125, %rem3A_264 : i32
          %mul3A_266 = arith.constant 256 : i32
          %mul3A_267 = arith.muli %mul3A_266, %add3A_140 : i32
          %dma_wait3A_268 = arith.constant 0 : i32
          %dma_wait3A_269 = arith.constant 0 : i32
          %dma_wait3A_270 = tpu.memref_slice %run_scoped3A_8[%rem3A_265, %dma_wait3A_268, %dma_wait3A_269] : memref<2x256x128xf32, #tpu.memory_space<vmem>> -> memref<1x256x128xf32, #tpu.memory_space<vmem>>
          %dma_wait3A_271 = tpu.memref_squeeze %dma_wait3A_270 : memref<1x256x128xf32, #tpu.memory_space<vmem>> -> memref<256x128xf32, #tpu.memory_space<vmem>>
          %dma_wait3A_272 = arith.constant 0 : i32
          %dma_wait3A_273 = tpu.memref_slice %arg4[%mul3A_267, %dma_wait3A_272] : memref<32768x128xf32, #tpu.memory_space<hbm>> -> memref<256x128xf32, #tpu.memory_space<hbm>>
          %dma_wait3A_274 = tpu.memref_slice %run_scoped3A_9[%rem3A_265] : memref<2x!tpu.dma_semaphore, #tpu.memory_space<semaphore_mem>> -> memref<1x!tpu.dma_semaphore, #tpu.memory_space<semaphore_mem>>
          %dma_wait3A_275 = tpu.memref_squeeze %dma_wait3A_274 : memref<1x!tpu.dma_semaphore, #tpu.memory_space<semaphore_mem>> -> memref<!tpu.dma_semaphore, #tpu.memory_space<semaphore_mem>>
          %dma_wait3A_276 = arith.constant 0 : i32
          %dma_wait3A_277 = tpu.memref_slice %arg4[%mul3A_267, %dma_wait3A_276] : memref<32768x128xf32, #tpu.memory_space<hbm>> -> memref<256x128xf32, #tpu.memory_space<hbm>>
          %dma_wait3A_278 = arith.constant 0 : i32
          %dma_wait3A_279 = arith.constant 0 : i32
          %dma_wait3A_280 = tpu.memref_slice %run_scoped3A_8[%rem3A_265, %dma_wait3A_278, %dma_wait3A_279] : memref<2x256x128xf32, #tpu.memory_space<vmem>> -> memref<1x256x128xf32, #tpu.memory_space<vmem>>
          %dma_wait3A_281 = tpu.memref_squeeze %dma_wait3A_280 : memref<1x256x128xf32, #tpu.memory_space<vmem>> -> memref<256x128xf32, #tpu.memory_space<vmem>>
          tpu.wait_dma2 semaphore(%dma_wait3A_275 : memref<!tpu.dma_semaphore, #tpu.memory_space<semaphore_mem>>) src(%dma_wait3A_281 : memref<256x128xf32, #tpu.memory_space<vmem>>) dst(%dma_wait3A_277 : memref<256x128xf32, #tpu.memory_space<hbm>>)
          "tpu.trace_stop"() : () -> ()
        } else {
        }
        %and3A_244 = arith.constant true
        %and3A_245 = arith.andi %and3A_240, %and3A_244 : i1
        %add3A_246 = arith.constant 1 : i32
        %add3A_247 = arith.addi %scan3A_125, %add3A_246 : i32
        %select_n3A_248 = arith.select %and3A_245, %add3A_247, %scan3A_125 : i32
        %ne3A_249 = arith.cmpi ne, %add3A_131, %add3A_149 : i32
        %or3A_250 = arith.constant false
        %or3A_251 = arith.ori %or3A_250, %ne3A_249 : i1
        %or3A_252 = arith.ori %or3A_251, %eq3A_130 : i1
        %add3A_253 = arith.constant 1 : i32
        %add3A_254 = arith.addi %scan3A_123, %add3A_253 : i32
        %select_n3A_255 = arith.select %or3A_252, %add3A_254, %scan3A_123 : i32
        %add3A_256 = arith.constant 1 : i32
        %add3A_257 = arith.addi %scan3A_126, %add3A_256 : i32
        %select_n3A_258 = arith.constant true
        %select_n3A_259 = arith.select %select_n3A_258, %add3A_257, %scan3A_126 : i32
        %eq3A_260 = arith.constant 4 : i32
        %eq3A_261 = arith.cmpi eq, %select_n3A_259, %eq3A_260 : i32
        %select_n3A_262 = arith.constant 0 : i32
        %select_n3A_263 = arith.select %eq3A_261, %select_n3A_262, %select_n3A_259 : i32
        scf.yield %select_n3A_167, %select_n3A_255, %select_n3A_221, %select_n3A_248, %select_n3A_263 : i32, i32, i32, i32, i32
      }
      %scan3A_68 = arith.constant 4 : i32
      %sub3A = arith.constant 1 : i32
      %sub3A_69 = arith.subi %scan3A_67#4, %sub3A : i32
      %select_n3A_70 = arith.constant true
      %select_n3A_71 = arith.select %select_n3A_70, %sub3A_69, %scan3A_67#4 : i32
      %eq3A_72 = arith.constant -1 : i32
      %eq3A_73 = arith.cmpi eq, %select_n3A_71, %eq3A_72 : i32
      %select_n3A_74 = arith.constant 3 : i32
      %select_n3A_75 = arith.select %eq3A_73, %select_n3A_74, %select_n3A_71 : i32
      %add3A_76 = arith.addi %select_n3A_75, %mul3A_6 : i32
      %sub3A_77 = arith.constant 1 : i32
      %sub3A_78 = arith.subi %select_n3A_75, %sub3A_77 : i32
      %select_n3A_79 = arith.constant true
      %select_n3A_80 = arith.select %select_n3A_79, %sub3A_78, %select_n3A_75 : i32
      %eq3A_81 = arith.constant -1 : i32
      %eq3A_82 = arith.cmpi eq, %select_n3A_80, %eq3A_81 : i32
      %select_n3A_83 = arith.constant 3 : i32
      %select_n3A_84 = arith.select %eq3A_82, %select_n3A_83, %select_n3A_80 : i32
      %add3A_85 = arith.addi %select_n3A_84, %mul3A_6 : i32
      %add3A_86 = arith.constant 1 : i32
      %add3A_87 = arith.addi %select_n3A_75, %add3A_86 : i32
      %select_n3A_88 = arith.constant true
      %select_n3A_89 = arith.select %select_n3A_88, %add3A_87, %select_n3A_75 : i32
      %eq3A_90 = arith.constant 4 : i32
      %eq3A_91 = arith.cmpi eq, %select_n3A_89, %eq3A_90 : i32
      %select_n3A_92 = arith.constant 0 : i32
      %select_n3A_93 = arith.select %eq3A_91, %select_n3A_92, %select_n3A_89 : i32
      %add3A_94 = arith.addi %select_n3A_93, %mul3A_6 : i32
      %add3A_95 = arith.constant 1 : i32
      %add3A_96 = arith.addi %select_n3A_93, %add3A_95 : i32
      %select_n3A_97 = arith.constant true
      %select_n3A_98 = arith.select %select_n3A_97, %add3A_96, %select_n3A_93 : i32
      %eq3A_99 = arith.constant 4 : i32
      %eq3A_100 = arith.cmpi eq, %select_n3A_98, %eq3A_99 : i32
      %select_n3A_101 = arith.constant 0 : i32
      %select_n3A_102 = arith.select %eq3A_100, %select_n3A_101, %select_n3A_98 : i32
      %add3A_103 = arith.addi %select_n3A_102, %mul3A_6 : i32
      "tpu.trace_start"() <{level = 10 : i32, message = "ep_finalize"}> : () -> ()
      %rem3A_104 = arith.constant 2 : i32
      %rem3A_105 = arith.remui %scan3A_67#3, %rem3A_104 : i32
      %mul3A_106 = arith.constant 256 : i32
      %mul3A_107 = arith.muli %mul3A_106, %add3A_76 : i32
      %dma_wait3A = arith.constant 0 : i32
      %dma_wait3A_108 = arith.constant 0 : i32
      %dma_wait3A_109 = tpu.memref_slice %run_scoped3A_8[%rem3A_105, %dma_wait3A, %dma_wait3A_108] : memref<2x256x128xf32, #tpu.memory_space<vmem>> -> memref<1x256x128xf32, #tpu.memory_space<vmem>>
      %dma_wait3A_110 = tpu.memref_squeeze %dma_wait3A_109 : memref<1x256x128xf32, #tpu.memory_space<vmem>> -> memref<256x128xf32, #tpu.memory_space<vmem>>
      %dma_wait3A_111 = arith.constant 0 : i32
      %dma_wait3A_112 = tpu.memref_slice %arg4[%mul3A_107, %dma_wait3A_111] : memref<32768x128xf32, #tpu.memory_space<hbm>> -> memref<256x128xf32, #tpu.memory_space<hbm>>
      %dma_wait3A_113 = tpu.memref_slice %run_scoped3A_9[%rem3A_105] : memref<2x!tpu.dma_semaphore, #tpu.memory_space<semaphore_mem>> -> memref<1x!tpu.dma_semaphore, #tpu.memory_space<semaphore_mem>>
      %dma_wait3A_114 = tpu.memref_squeeze %dma_wait3A_113 : memref<1x!tpu.dma_semaphore, #tpu.memory_space<semaphore_mem>> -> memref<!tpu.dma_semaphore, #tpu.memory_space<semaphore_mem>>
      %dma_wait3A_115 = arith.constant 0 : i32
      %dma_wait3A_116 = tpu.memref_slice %arg4[%mul3A_107, %dma_wait3A_115] : memref<32768x128xf32, #tpu.memory_space<hbm>> -> memref<256x128xf32, #tpu.memory_space<hbm>>
      %dma_wait3A_117 = arith.constant 0 : i32
      %dma_wait3A_118 = arith.constant 0 : i32
      %dma_wait3A_119 = tpu.memref_slice %run_scoped3A_8[%rem3A_105, %dma_wait3A_117, %dma_wait3A_118] : memref<2x256x128xf32, #tpu.memory_space<vmem>> -> memref<1x256x128xf32, #tpu.memory_space<vmem>>
      %dma_wait3A_120 = tpu.memref_squeeze %dma_wait3A_119 : memref<1x256x128xf32, #tpu.memory_space<vmem>> -> memref<256x128xf32, #tpu.memory_space<vmem>>
      tpu.wait_dma2 semaphore(%dma_wait3A_114 : memref<!tpu.dma_semaphore, #tpu.memory_space<semaphore_mem>>) src(%dma_wait3A_120 : memref<256x128xf32, #tpu.memory_space<vmem>>) dst(%dma_wait3A_116 : memref<256x128xf32, #tpu.memory_space<hbm>>)
      "tpu.trace_stop"() : () -> ()
      tpu.yield
    }) : () -> ()
    return
  }
}

module attributes {stable_mosaic.version = 14 : i64} {
  func.func @_kernel_a(%arg0: i32, %arg1: memref<1x1024x16xf32, #tpu.memory_space<vmem>>, %arg2: memref<1x256x1024xf32, #tpu.memory_space<vmem>>, %arg3: memref<1x1x256xf32, #tpu.memory_space<vmem>>, %arg4: memref<16x128xf32, #tpu.memory_space<vmem>>, %arg5: memref<128x256xf32, #tpu.memory_space<vmem>>, %arg6: memref<1x256x16xi32, #tpu.memory_space<vmem>>, %arg7: memref<1x256x256xf32, #tpu.memory_space<vmem>>, %arg8: memref<1x1024x128xf32, #tpu.memory_space<vmem>>, %arg9: memref<1x256x128xf32, #tpu.memory_space<vmem>>, %arg10: memref<1x256x16xf32, #tpu.memory_space<vmem>>) attributes {dimension_semantics = [#tpu.dimension_semantics<arbitrary>], iteration_bounds = array<i64: 8>, scalar_prefetch = 0 : i64, scratch_operands = 0 : i64, tpu.core_type = #tpu.core_type<tc>, window_params = [{transform_indices = @transform_0, window_bounds = array<i64: 1, 1024, 16>}, {transform_indices = @transform_1, window_bounds = array<i64: 1, 256, 1024>}, {transform_indices = @transform_2, window_bounds = array<i64: 1, 1, 256>}, {pipeline_mode = #tpu.pipeline_mode<synchronous>, transform_indices = @transform_3, window_bounds = array<i64: 16, 128>}, {pipeline_mode = #tpu.pipeline_mode<synchronous>, transform_indices = @transform_4, window_bounds = array<i64: 128, 256>}, {transform_indices = @transform_5, window_bounds = array<i64: 1, 256, 16>}, {transform_indices = @transform_6, window_bounds = array<i64: 1, 256, 256>}, {transform_indices = @transform_7, window_bounds = array<i64: 1, 1024, 128>}, {transform_indices = @transform_8, window_bounds = array<i64: 1, 256, 128>}, {transform_indices = @transform_9, window_bounds = array<i64: 1, 256, 16>}]} {
    %get3A = arith.constant 0 : index
    %get3A_0 = arith.constant 0 : index
    %get3A_1 = arith.constant 0 : index
    %get3A_2 = vector.load %arg1[%get3A, %get3A_0, %get3A_1] : memref<1x1024x16xf32, #tpu.memory_space<vmem>>, vector<1x1024x16xf32>
    %get3A_3 = vector.shape_cast %get3A_2 : vector<1x1024x16xf32> to vector<1024x16xf32>
    %get3A_4 = arith.constant 0 : index
    %get3A_5 = arith.constant 0 : index
    %get3A_6 = arith.constant 0 : index
    %get3A_7 = vector.load %arg3[%get3A_4, %get3A_5, %get3A_6] : memref<1x1x256xf32, #tpu.memory_space<vmem>>, vector<1x1x256xf32>
    %get3A_8 = vector.shape_cast %get3A_7 : vector<1x1x256xf32> to vector<1x256xf32>
    %transpose3A = tpu.transpose %get3A_8, [1, 0] : vector<1x256xf32> -> vector<256x1xf32>
    %iota3A = tpu.iota {dimensions = array<i32: 1>} : vector<256x1024xi32>
    %convert_element_type3A = arith.sitofp %iota3A : vector<256x1024xi32> to vector<256x1024xf32>
    %eq3A = vector.broadcast %transpose3A : vector<256x1xf32> to vector<256x1024xf32>
    %eq3A_9 = arith.cmpf oeq, %convert_element_type3A, %eq3A : vector<256x1024xf32>
    %convert_element_type3A_10 = arith.extui %eq3A_9 : vector<256x1024xi1> to vector<256x1024xi32>
    %convert_element_type3A_11 = arith.sitofp %convert_element_type3A_10 : vector<256x1024xi32> to vector<256x1024xf32>
    %convert_element_type3A_12 = arith.truncf %convert_element_type3A_11 : vector<256x1024xf32> to vector<256x1024xbf16>
    %convert_element_type3A_13 = arith.truncf %get3A_3 : vector<1024x16xf32> to vector<1024x16xbf16>
    %convert_element_type3A_14 = arith.extf %convert_element_type3A_13 : vector<1024x16xbf16> to vector<1024x16xf32>
    %sub3A = arith.subf %get3A_3, %convert_element_type3A_14 : vector<1024x16xf32>
    %convert_element_type3A_15 = arith.truncf %sub3A : vector<1024x16xf32> to vector<1024x16xbf16>
    %convert_element_type3A_16 = arith.extf %convert_element_type3A_15 : vector<1024x16xbf16> to vector<1024x16xf32>
    %sub3A_17 = arith.subf %sub3A, %convert_element_type3A_16 : vector<1024x16xf32>
    %convert_element_type3A_18 = arith.truncf %sub3A_17 : vector<1024x16xf32> to vector<1024x16xbf16>
    %dot_general3A = arith.constant dense<0.000000e+00> : vector<256x16xf32>
    %dot_general3A_19 = tpu.matmul %convert_element_type3A_12, %convert_element_type3A_13, %dot_general3A {dimension_numbers = #tpu.dot_dimension_numbers<[1], [0], [0], [1], [0, 0, 1, 1], [], []>, transpose_lhs_hint = false} : vector<256x1024xbf16>, vector<1024x16xbf16>, vector<256x16xf32> -> vector<256x16xf32>
    %dot_general3A_20 = arith.constant dense<0.000000e+00> : vector<256x16xf32>
    %dot_general3A_21 = tpu.matmul %convert_element_type3A_12, %convert_element_type3A_15, %dot_general3A_20 {dimension_numbers = #tpu.dot_dimension_numbers<[1], [0], [0], [1], [0, 0, 1, 1], [], []>, transpose_lhs_hint = false} : vector<256x1024xbf16>, vector<1024x16xbf16>, vector<256x16xf32> -> vector<256x16xf32>
    %dot_general3A_22 = arith.constant dense<0.000000e+00> : vector<256x16xf32>
    %dot_general3A_23 = tpu.matmul %convert_element_type3A_12, %convert_element_type3A_18, %dot_general3A_22 {dimension_numbers = #tpu.dot_dimension_numbers<[1], [0], [0], [1], [0, 0, 1, 1], [], []>, transpose_lhs_hint = false} : vector<256x1024xbf16>, vector<1024x16xbf16>, vector<256x16xf32> -> vector<256x16xf32>
    %add3A = arith.addf %dot_general3A_21, %dot_general3A_23 : vector<256x16xf32>
    %add3A_24 = arith.addf %dot_general3A_19, %add3A : vector<256x16xf32>
    %swap3A = arith.constant 0 : index
    %swap3A_25 = arith.constant 0 : index
    %swap3A_26 = arith.constant 0 : index
    %swap3A_27 = vector.load %arg10[%swap3A, %swap3A_25, %swap3A_26] : memref<1x256x16xf32, #tpu.memory_space<vmem>>, vector<1x256x16xf32>
    %swap3A_28 = vector.shape_cast %swap3A_27 : vector<1x256x16xf32> to vector<256x16xf32>
    %swap3A_29 = vector.shape_cast %add3A_24 : vector<256x16xf32> to vector<1x256x16xf32>
    tpu.vector_store %arg10[%swap3A, %swap3A_25, %swap3A_26], %swap3A_29 {strides = array<i32>} : memref<1x256x16xf32, #tpu.memory_space<vmem>>, vector<1x256x16xf32>,
    %get3A_30 = arith.constant 0 : index
    %get3A_31 = arith.constant 0 : index
    %get3A_32 = arith.constant 0 : index
    %get3A_33 = vector.load %arg2[%get3A_30, %get3A_31, %get3A_32] : memref<1x256x1024xf32, #tpu.memory_space<vmem>>, vector<1x256x1024xf32>
    %get3A_34 = vector.shape_cast %get3A_33 : vector<1x256x1024xf32> to vector<256x1024xf32>
    %get3A_35 = arith.constant 0 : index
    %get3A_36 = arith.constant 0 : index
    %get3A_37 = vector.load %arg5[%get3A_35, %get3A_36] : memref<128x256xf32, #tpu.memory_space<vmem>>, vector<128x256xf32>
    %dot_general3A_38 = arith.constant dense<0.000000e+00> : vector<128x1024xf32>
    %dot_general3A_39 = tpu.matmul %get3A_37, %get3A_34, %dot_general3A_38 {dimension_numbers = #tpu.dot_dimension_numbers<[1], [0], [0], [1], [0, 0, 1, 1], [], []>, precision = #tpu.contract_precision<fp32>, transpose_lhs_hint = false} : vector<128x256xf32>, vector<256x1024xf32>, vector<128x1024xf32> -> vector<128x1024xf32>
    %mul3A = arith.constant 3.33333325 : f32
    %mul3A_40 = vector.broadcast %mul3A : f32 to vector<1024x16xf32>
    %mul3A_41 = arith.mulf %get3A_3, %mul3A_40 : vector<1024x16xf32>
    %get3A_42 = arith.constant 0 : index
    %get3A_43 = arith.constant 0 : index
    %get3A_44 = vector.load %arg4[%get3A_42, %get3A_43] : memref<16x128xf32, #tpu.memory_space<vmem>>, vector<16x128xf32>
    %dot_general3A_45 = arith.constant dense<0.000000e+00> : vector<1024x128xf32>
    %dot_general3A_46 = tpu.matmul %mul3A_41, %get3A_44, %dot_general3A_45 {dimension_numbers = #tpu.dot_dimension_numbers<[1], [0], [0], [1], [0, 0, 1, 1], [], []>, precision = #tpu.contract_precision<fp32>, transpose_lhs_hint = false} : vector<1024x16xf32>, vector<16x128xf32>, vector<1024x128xf32> -> vector<1024x128xf32>
    %transpose3A_47 = tpu.transpose %dot_general3A_39, [1, 0] : vector<128x1024xf32> -> vector<1024x128xf32>
    %add3A_48 = arith.addf %dot_general3A_46, %transpose3A_47 : vector<1024x128xf32>
    %swap3A_49 = arith.constant 0 : index
    %swap3A_50 = arith.constant 0 : index
    %swap3A_51 = arith.constant 0 : index
    %swap3A_52 = vector.load %arg8[%swap3A_49, %swap3A_50, %swap3A_51] : memref<1x1024x128xf32, #tpu.memory_space<vmem>>, vector<1x1024x128xf32>
    %swap3A_53 = vector.shape_cast %swap3A_52 : vector<1x1024x128xf32> to vector<1024x128xf32>
    %swap3A_54 = vector.shape_cast %add3A_48 : vector<1024x128xf32> to vector<1x1024x128xf32>
    tpu.vector_store %arg8[%swap3A_49, %swap3A_50, %swap3A_51], %swap3A_54 {strides = array<i32>} : memref<1x1024x128xf32, #tpu.memory_space<vmem>>, vector<1x1024x128xf32>,
    %mul3A_55 = arith.constant 3.33333325 : f32
    %mul3A_56 = vector.broadcast %mul3A_55 : f32 to vector<256x16xf32>
    %mul3A_57 = arith.mulf %add3A_24, %mul3A_56 : vector<256x16xf32>
    %get3A_58 = arith.constant 0 : index
    %get3A_59 = arith.constant 0 : index
    %get3A_60 = vector.load %arg4[%get3A_58, %get3A_59] : memref<16x128xf32, #tpu.memory_space<vmem>>, vector<16x128xf32>
    %dot_general3A_61 = arith.constant dense<0.000000e+00> : vector<256x128xf32>
    %dot_general3A_62 = tpu.matmul %mul3A_57, %get3A_60, %dot_general3A_61 {dimension_numbers = #tpu.dot_dimension_numbers<[1], [0], [0], [1], [0, 0, 1, 1], [], []>, precision = #tpu.contract_precision<fp32>, transpose_lhs_hint = false} : vector<256x16xf32>, vector<16x128xf32>, vector<256x128xf32> -> vector<256x128xf32>
    %swap3A_63 = arith.constant 0 : index
    %swap3A_64 = arith.constant 0 : index
    %swap3A_65 = arith.constant 0 : index
    %swap3A_66 = vector.load %arg9[%swap3A_63, %swap3A_64, %swap3A_65] : memref<1x256x128xf32, #tpu.memory_space<vmem>>, vector<1x256x128xf32>
    %swap3A_67 = vector.shape_cast %swap3A_66 : vector<1x256x128xf32> to vector<256x128xf32>
    %swap3A_68 = vector.shape_cast %dot_general3A_62 : vector<256x128xf32> to vector<1x256x128xf32>
    tpu.vector_store %arg9[%swap3A_63, %swap3A_64, %swap3A_65], %swap3A_68 {strides = array<i32>} : memref<1x256x128xf32, #tpu.memory_space<vmem>>, vector<1x256x128xf32>,
    %slice3A = vector.extract_strided_slice %add3A_24 {offsets = [0, 0], sizes = [256, 1], strides = [1, 1]} : vector<256x16xf32> to vector<256x1xf32>
    %slice3A_69 = vector.extract_strided_slice %add3A_24 {offsets = [0, 1], sizes = [256, 1], strides = [1, 1]} : vector<256x16xf32> to vector<256x1xf32>
    %slice3A_70 = vector.extract_strided_slice %add3A_24 {offsets = [0, 2], sizes = [256, 1], strides = [1, 1]} : vector<256x16xf32> to vector<256x1xf32>
    %slice3A_71 = vector.extract_strided_slice %get3A_3 {offsets = [0, 0], sizes = [1024, 3], strides = [1, 1]} : vector<1024x16xf32> to vector<1024x3xf32>
    %transpose3A_72 = tpu.transpose %slice3A_71, [1, 0] : vector<1024x3xf32> -> vector<3x1024xf32>
    %slice3A_73 = vector.extract_strided_slice %transpose3A_72 {offsets = [0, 0], sizes = [1, 1024], strides = [1, 1]} : vector<3x1024xf32> to vector<1x1024xf32>
    %slice3A_74 = vector.extract_strided_slice %transpose3A_72 {offsets = [1, 0], sizes = [1, 1024], strides = [1, 1]} : vector<3x1024xf32> to vector<1x1024xf32>
    %slice3A_75 = vector.extract_strided_slice %transpose3A_72 {offsets = [2, 0], sizes = [1, 1024], strides = [1, 1]} : vector<3x1024xf32> to vector<1x1024xf32>
    %sub3A_76 = vector.broadcast %slice3A : vector<256x1xf32> to vector<256x1024xf32>
    %sub3A_77 = vector.broadcast %slice3A_73 : vector<1x1024xf32> to vector<256x1024xf32>
    %sub3A_78 = arith.subf %sub3A_76, %sub3A_77 : vector<256x1024xf32>
    %sub3A_79 = vector.broadcast %slice3A_69 : vector<256x1xf32> to vector<256x1024xf32>
    %sub3A_80 = vector.broadcast %slice3A_74 : vector<1x1024xf32> to vector<256x1024xf32>
    %sub3A_81 = arith.subf %sub3A_79, %sub3A_80 : vector<256x1024xf32>
    %sub3A_82 = vector.broadcast %slice3A_70 : vector<256x1xf32> to vector<256x1024xf32>
    %sub3A_83 = vector.broadcast %slice3A_75 : vector<1x1024xf32> to vector<256x1024xf32>
    %sub3A_84 = arith.subf %sub3A_82, %sub3A_83 : vector<256x1024xf32>
    %mul3A_85 = arith.mulf %sub3A_78, %sub3A_78 : vector<256x1024xf32>
    %mul3A_86 = arith.mulf %sub3A_81, %sub3A_81 : vector<256x1024xf32>
    %add3A_87 = arith.addf %mul3A_85, %mul3A_86 : vector<256x1024xf32>
    %mul3A_88 = arith.mulf %sub3A_84, %sub3A_84 : vector<256x1024xf32>
    %add3A_89 = arith.addf %add3A_87, %mul3A_88 : vector<256x1024xf32>
    %iota3A_90 = tpu.iota {dimensions = array<i32: 1>} : vector<256x1024xi32>
    %convert_element_type3A_91 = arith.sitofp %iota3A_90 : vector<256x1024xi32> to vector<256x1024xf32>
    %lt3A = arith.constant 9.000000e-02 : f32
    %lt3A_92 = vector.broadcast %lt3A : f32 to vector<256x1024xf32>
    %lt3A_93 = arith.cmpf olt, %add3A_89, %lt3A_92 : vector<256x1024xf32>
    %jit3A = arith.constant 1.024000e+03 : f32
    %broadcast_in_dim3A = vector.broadcast %jit3A : f32 to vector<256x1024xf32>
    %select_n3A = arith.select %lt3A_93, %convert_element_type3A_91, %broadcast_in_dim3A : vector<256x1024xi1>, vector<256x1024xf32>
    %reduce_min3A = arith.constant dense<0x7F800000> : vector<256xf32>
    %reduce_min3A_94 = vector.multi_reduction <minimumf>, %select_n3A, %reduce_min3A [1] : vector<256x1024xf32> to vector<256xf32>
    %broadcast_in_dim3A_95 = vector.shape_cast %reduce_min3A_94 : vector<256xf32> to vector<256x1xf32>
    %eq3A_96 = vector.broadcast %broadcast_in_dim3A_95 : vector<256x1xf32> to vector<256x1024xf32>
    %eq3A_97 = arith.cmpf oeq, %select_n3A, %eq3A_96 : vector<256x1024xf32>
    %jit3A_98 = arith.constant 1.024000e+03 : f32
    %broadcast_in_dim3A_99 = vector.broadcast %jit3A_98 : f32 to vector<256x1024xf32>
    %select_n3A_100 = arith.select %eq3A_97, %broadcast_in_dim3A_99, %select_n3A : vector<256x1024xi1>, vector<256x1024xf32>
    %reduce_min3A_101 = arith.constant dense<0x7F800000> : vector<256xf32>
    %reduce_min3A_102 = vector.multi_reduction <minimumf>, %select_n3A_100, %reduce_min3A_101 [1] : vector<256x1024xf32> to vector<256xf32>
    %broadcast_in_dim3A_103 = vector.shape_cast %reduce_min3A_102 : vector<256xf32> to vector<256x1xf32>
    %eq3A_104 = vector.broadcast %broadcast_in_dim3A_103 : vector<256x1xf32> to vector<256x1024xf32>
    %eq3A_105 = arith.cmpf oeq, %select_n3A_100, %eq3A_104 : vector<256x1024xf32>
    %jit3A_106 = arith.constant 1.024000e+03 : f32
    %broadcast_in_dim3A_107 = vector.broadcast %jit3A_106 : f32 to vector<256x1024xf32>
    %select_n3A_108 = arith.select %eq3A_105, %broadcast_in_dim3A_107, %select_n3A_100 : vector<256x1024xi1>, vector<256x1024xf32>
    %reduce_min3A_109 = arith.constant dense<0x7F800000> : vector<256xf32>
    %reduce_min3A_110 = vector.multi_reduction <minimumf>, %select_n3A_108, %reduce_min3A_109 [1] : vector<256x1024xf32> to vector<256xf32>
    %broadcast_in_dim3A_111 = vector.shape_cast %reduce_min3A_110 : vector<256xf32> to vector<256x1xf32>
    %eq3A_112 = vector.broadcast %broadcast_in_dim3A_111 : vector<256x1xf32> to vector<256x1024xf32>
    %eq3A_113 = arith.cmpf oeq, %select_n3A_108, %eq3A_112 : vector<256x1024xf32>
    %jit3A_114 = arith.constant 1.024000e+03 : f32
    %broadcast_in_dim3A_115 = vector.broadcast %jit3A_114 : f32 to vector<256x1024xf32>
    %select_n3A_116 = arith.select %eq3A_113, %broadcast_in_dim3A_115, %select_n3A_108 : vector<256x1024xi1>, vector<256x1024xf32>
    %reduce_min3A_117 = arith.constant dense<0x7F800000> : vector<256xf32>
    %reduce_min3A_118 = vector.multi_reduction <minimumf>, %select_n3A_116, %reduce_min3A_117 [1] : vector<256x1024xf32> to vector<256xf32>
    %broadcast_in_dim3A_119 = vector.shape_cast %reduce_min3A_118 : vector<256xf32> to vector<256x1xf32>
    %eq3A_120 = vector.broadcast %broadcast_in_dim3A_119 : vector<256x1xf32> to vector<256x1024xf32>
    %eq3A_121 = arith.cmpf oeq, %select_n3A_116, %eq3A_120 : vector<256x1024xf32>
    %jit3A_122 = arith.constant 1.024000e+03 : f32
    %broadcast_in_dim3A_123 = vector.broadcast %jit3A_122 : f32 to vector<256x1024xf32>
    %select_n3A_124 = arith.select %eq3A_121, %broadcast_in_dim3A_123, %select_n3A_116 : vector<256x1024xi1>, vector<256x1024xf32>
    %reduce_min3A_125 = arith.constant dense<0x7F800000> : vector<256xf32>
    %reduce_min3A_126 = vector.multi_reduction <minimumf>, %select_n3A_124, %reduce_min3A_125 [1] : vector<256x1024xf32> to vector<256xf32>
    %broadcast_in_dim3A_127 = vector.shape_cast %reduce_min3A_126 : vector<256xf32> to vector<256x1xf32>
    %eq3A_128 = vector.broadcast %broadcast_in_dim3A_127 : vector<256x1xf32> to vector<256x1024xf32>
    %eq3A_129 = arith.cmpf oeq, %select_n3A_124, %eq3A_128 : vector<256x1024xf32>
    %jit3A_130 = arith.constant 1.024000e+03 : f32
    %broadcast_in_dim3A_131 = vector.broadcast %jit3A_130 : f32 to vector<256x1024xf32>
    %select_n3A_132 = arith.select %eq3A_129, %broadcast_in_dim3A_131, %select_n3A_124 : vector<256x1024xi1>, vector<256x1024xf32>
    %reduce_min3A_133 = arith.constant dense<0x7F800000> : vector<256xf32>
    %reduce_min3A_134 = vector.multi_reduction <minimumf>, %select_n3A_132, %reduce_min3A_133 [1] : vector<256x1024xf32> to vector<256xf32>
    %broadcast_in_dim3A_135 = vector.shape_cast %reduce_min3A_134 : vector<256xf32> to vector<256x1xf32>
    %eq3A_136 = vector.broadcast %broadcast_in_dim3A_135 : vector<256x1xf32> to vector<256x1024xf32>
    %eq3A_137 = arith.cmpf oeq, %select_n3A_132, %eq3A_136 : vector<256x1024xf32>
    %jit3A_138 = arith.constant 1.024000e+03 : f32
    %broadcast_in_dim3A_139 = vector.broadcast %jit3A_138 : f32 to vector<256x1024xf32>
    %select_n3A_140 = arith.select %eq3A_137, %broadcast_in_dim3A_139, %select_n3A_132 : vector<256x1024xi1>, vector<256x1024xf32>
    %reduce_min3A_141 = arith.constant dense<0x7F800000> : vector<256xf32>
    %reduce_min3A_142 = vector.multi_reduction <minimumf>, %select_n3A_140, %reduce_min3A_141 [1] : vector<256x1024xf32> to vector<256xf32>
    %broadcast_in_dim3A_143 = vector.shape_cast %reduce_min3A_142 : vector<256xf32> to vector<256x1xf32>
    %eq3A_144 = vector.broadcast %broadcast_in_dim3A_143 : vector<256x1xf32> to vector<256x1024xf32>
    %eq3A_145 = arith.cmpf oeq, %select_n3A_140, %eq3A_144 : vector<256x1024xf32>
    %jit3A_146 = arith.constant 1.024000e+03 : f32
    %broadcast_in_dim3A_147 = vector.broadcast %jit3A_146 : f32 to vector<256x1024xf32>
    %select_n3A_148 = arith.select %eq3A_145, %broadcast_in_dim3A_147, %select_n3A_140 : vector<256x1024xi1>, vector<256x1024xf32>
    %reduce_min3A_149 = arith.constant dense<0x7F800000> : vector<256xf32>
    %reduce_min3A_150 = vector.multi_reduction <minimumf>, %select_n3A_148, %reduce_min3A_149 [1] : vector<256x1024xf32> to vector<256xf32>
    %broadcast_in_dim3A_151 = vector.shape_cast %reduce_min3A_150 : vector<256xf32> to vector<256x1xf32>
    %eq3A_152 = vector.broadcast %broadcast_in_dim3A_151 : vector<256x1xf32> to vector<256x1024xf32>
    %eq3A_153 = arith.cmpf oeq, %select_n3A_148, %eq3A_152 : vector<256x1024xf32>
    %jit3A_154 = arith.constant 1.024000e+03 : f32
    %broadcast_in_dim3A_155 = vector.broadcast %jit3A_154 : f32 to vector<256x1024xf32>
    %select_n3A_156 = arith.select %eq3A_153, %broadcast_in_dim3A_155, %select_n3A_148 : vector<256x1024xi1>, vector<256x1024xf32>
    %reduce_min3A_157 = arith.constant dense<0x7F800000> : vector<256xf32>
    %reduce_min3A_158 = vector.multi_reduction <minimumf>, %select_n3A_156, %reduce_min3A_157 [1] : vector<256x1024xf32> to vector<256xf32>
    %broadcast_in_dim3A_159 = vector.shape_cast %reduce_min3A_158 : vector<256xf32> to vector<256x1xf32>
    %eq3A_160 = vector.broadcast %broadcast_in_dim3A_159 : vector<256x1xf32> to vector<256x1024xf32>
    %eq3A_161 = arith.cmpf oeq, %select_n3A_156, %eq3A_160 : vector<256x1024xf32>
    %jit3A_162 = arith.constant 1.024000e+03 : f32
    %broadcast_in_dim3A_163 = vector.broadcast %jit3A_162 : f32 to vector<256x1024xf32>
    %select_n3A_164 = arith.select %eq3A_161, %broadcast_in_dim3A_163, %select_n3A_156 : vector<256x1024xi1>, vector<256x1024xf32>
    %reduce_min3A_165 = arith.constant dense<0x7F800000> : vector<256xf32>
    %reduce_min3A_166 = vector.multi_reduction <minimumf>, %select_n3A_164, %reduce_min3A_165 [1] : vector<256x1024xf32> to vector<256xf32>
    %broadcast_in_dim3A_167 = vector.shape_cast %reduce_min3A_166 : vector<256xf32> to vector<256x1xf32>
    %eq3A_168 = vector.broadcast %broadcast_in_dim3A_167 : vector<256x1xf32> to vector<256x1024xf32>
    %eq3A_169 = arith.cmpf oeq, %select_n3A_164, %eq3A_168 : vector<256x1024xf32>
    %jit3A_170 = arith.constant 1.024000e+03 : f32
    %broadcast_in_dim3A_171 = vector.broadcast %jit3A_170 : f32 to vector<256x1024xf32>
    %select_n3A_172 = arith.select %eq3A_169, %broadcast_in_dim3A_171, %select_n3A_164 : vector<256x1024xi1>, vector<256x1024xf32>
    %reduce_min3A_173 = arith.constant dense<0x7F800000> : vector<256xf32>
    %reduce_min3A_174 = vector.multi_reduction <minimumf>, %select_n3A_172, %reduce_min3A_173 [1] : vector<256x1024xf32> to vector<256xf32>
    %broadcast_in_dim3A_175 = vector.shape_cast %reduce_min3A_174 : vector<256xf32> to vector<256x1xf32>
    %eq3A_176 = vector.broadcast %broadcast_in_dim3A_175 : vector<256x1xf32> to vector<256x1024xf32>
    %eq3A_177 = arith.cmpf oeq, %select_n3A_172, %eq3A_176 : vector<256x1024xf32>
    %jit3A_178 = arith.constant 1.024000e+03 : f32
    %broadcast_in_dim3A_179 = vector.broadcast %jit3A_178 : f32 to vector<256x1024xf32>
    %select_n3A_180 = arith.select %eq3A_177, %broadcast_in_dim3A_179, %select_n3A_172 : vector<256x1024xi1>, vector<256x1024xf32>
    %reduce_min3A_181 = arith.constant dense<0x7F800000> : vector<256xf32>
    %reduce_min3A_182 = vector.multi_reduction <minimumf>, %select_n3A_180, %reduce_min3A_181 [1] : vector<256x1024xf32> to vector<256xf32>
    %broadcast_in_dim3A_183 = vector.shape_cast %reduce_min3A_182 : vector<256xf32> to vector<256x1xf32>
    %eq3A_184 = vector.broadcast %broadcast_in_dim3A_183 : vector<256x1xf32> to vector<256x1024xf32>
    %eq3A_185 = arith.cmpf oeq, %select_n3A_180, %eq3A_184 : vector<256x1024xf32>
    %jit3A_186 = arith.constant 1.024000e+03 : f32
    %broadcast_in_dim3A_187 = vector.broadcast %jit3A_186 : f32 to vector<256x1024xf32>
    %select_n3A_188 = arith.select %eq3A_185, %broadcast_in_dim3A_187, %select_n3A_180 : vector<256x1024xi1>, vector<256x1024xf32>
    %reduce_min3A_189 = arith.constant dense<0x7F800000> : vector<256xf32>
    %reduce_min3A_190 = vector.multi_reduction <minimumf>, %select_n3A_188, %reduce_min3A_189 [1] : vector<256x1024xf32> to vector<256xf32>
    %broadcast_in_dim3A_191 = vector.shape_cast %reduce_min3A_190 : vector<256xf32> to vector<256x1xf32>
    %eq3A_192 = vector.broadcast %broadcast_in_dim3A_191 : vector<256x1xf32> to vector<256x1024xf32>
    %eq3A_193 = arith.cmpf oeq, %select_n3A_188, %eq3A_192 : vector<256x1024xf32>
    %jit3A_194 = arith.constant 1.024000e+03 : f32
    %broadcast_in_dim3A_195 = vector.broadcast %jit3A_194 : f32 to vector<256x1024xf32>
    %select_n3A_196 = arith.select %eq3A_193, %broadcast_in_dim3A_195, %select_n3A_188 : vector<256x1024xi1>, vector<256x1024xf32>
    %reduce_min3A_197 = arith.constant dense<0x7F800000> : vector<256xf32>
    %reduce_min3A_198 = vector.multi_reduction <minimumf>, %select_n3A_196, %reduce_min3A_197 [1] : vector<256x1024xf32> to vector<256xf32>
    %broadcast_in_dim3A_199 = vector.shape_cast %reduce_min3A_198 : vector<256xf32> to vector<256x1xf32>
    %eq3A_200 = vector.broadcast %broadcast_in_dim3A_199 : vector<256x1xf32> to vector<256x1024xf32>
    %eq3A_201 = arith.cmpf oeq, %select_n3A_196, %eq3A_200 : vector<256x1024xf32>
    %jit3A_202 = arith.constant 1.024000e+03 : f32
    %broadcast_in_dim3A_203 = vector.broadcast %jit3A_202 : f32 to vector<256x1024xf32>
    %select_n3A_204 = arith.select %eq3A_201, %broadcast_in_dim3A_203, %select_n3A_196 : vector<256x1024xi1>, vector<256x1024xf32>
    %reduce_min3A_205 = arith.constant dense<0x7F800000> : vector<256xf32>
    %reduce_min3A_206 = vector.multi_reduction <minimumf>, %select_n3A_204, %reduce_min3A_205 [1] : vector<256x1024xf32> to vector<256xf32>
    %broadcast_in_dim3A_207 = vector.shape_cast %reduce_min3A_206 : vector<256xf32> to vector<256x1xf32>
    %eq3A_208 = vector.broadcast %broadcast_in_dim3A_207 : vector<256x1xf32> to vector<256x1024xf32>
    %eq3A_209 = arith.cmpf oeq, %select_n3A_204, %eq3A_208 : vector<256x1024xf32>
    %jit3A_210 = arith.constant 1.024000e+03 : f32
    %broadcast_in_dim3A_211 = vector.broadcast %jit3A_210 : f32 to vector<256x1024xf32>
    %select_n3A_212 = arith.select %eq3A_209, %broadcast_in_dim3A_211, %select_n3A_204 : vector<256x1024xi1>, vector<256x1024xf32>
    %reduce_min3A_213 = arith.constant dense<0x7F800000> : vector<256xf32>
    %reduce_min3A_214 = vector.multi_reduction <minimumf>, %select_n3A_212, %reduce_min3A_213 [1] : vector<256x1024xf32> to vector<256xf32>
    %broadcast_in_dim3A_215 = vector.shape_cast %reduce_min3A_214 : vector<256xf32> to vector<256x1xf32>
    %concatenate3A = tpu.concatenate %broadcast_in_dim3A_95, %broadcast_in_dim3A_103, %broadcast_in_dim3A_111, %broadcast_in_dim3A_119, %broadcast_in_dim3A_127, %broadcast_in_dim3A_135, %broadcast_in_dim3A_143, %broadcast_in_dim3A_151, %broadcast_in_dim3A_159, %broadcast_in_dim3A_167, %broadcast_in_dim3A_175, %broadcast_in_dim3A_183, %broadcast_in_dim3A_191, %broadcast_in_dim3A_199, %broadcast_in_dim3A_207, %broadcast_in_dim3A_215 in 1 : vector<256x1xf32>, vector<256x1xf32>, vector<256x1xf32>, vector<256x1xf32>, vector<256x1xf32>, vector<256x1xf32>, vector<256x1xf32>, vector<256x1xf32>, vector<256x1xf32>, vector<256x1xf32>, vector<256x1xf32>, vector<256x1xf32>, vector<256x1xf32>, vector<256x1xf32>, vector<256x1xf32>, vector<256x1xf32> -> vector<256x16xf32>
    %eq3A_216 = arith.constant 1.024000e+03 : f32
    %eq3A_217 = vector.broadcast %eq3A_216 : f32 to vector<256x16xf32>
    %eq3A_218 = arith.cmpf oeq, %concatenate3A, %eq3A_217 : vector<256x16xf32>
    %broadcast_in_dim3A_219 = vector.shape_cast %broadcast_in_dim3A_95 : vector<256x1xf32> to vector<256x1xf32>
    %broadcast_in_dim3A_220 = vector.broadcast %broadcast_in_dim3A_219 : vector<256x1xf32> to vector<256x16xf32>
    %select_n3A_221 = arith.select %eq3A_218, %broadcast_in_dim3A_220, %concatenate3A : vector<256x16xi1>, vector<256x16xf32>
    %convert_element_type3A_222 = arith.fptosi %select_n3A_221 : vector<256x16xf32> to vector<256x16xi32>
    %mul3A_223 = arith.constant 1024 : i32
    %mul3A_224 = arith.muli %arg0, %mul3A_223 : i32
    %add3A_225 = vector.broadcast %mul3A_224 : i32 to vector<256x16xi32>
    %add3A_226 = arith.addi %convert_element_type3A_222, %add3A_225 : vector<256x16xi32>
    %swap3A_227 = arith.constant 0 : index
    %swap3A_228 = arith.constant 0 : index
    %swap3A_229 = arith.constant 0 : index
    %swap3A_230 = vector.load %arg6[%swap3A_227, %swap3A_228, %swap3A_229] : memref<1x256x16xi32, #tpu.memory_space<vmem>>, vector<1x256x16xi32>
    %swap3A_231 = vector.shape_cast %swap3A_230 : vector<1x256x16xi32> to vector<256x16xi32>
    %swap3A_232 = vector.shape_cast %add3A_226 : vector<256x16xi32> to vector<1x256x16xi32>
    tpu.vector_store %arg6[%swap3A_227, %swap3A_228, %swap3A_229], %swap3A_232 {strides = array<i32>} : memref<1x256x16xi32, #tpu.memory_space<vmem>>, vector<1x256x16xi32>,
    %transpose3A_233 = tpu.transpose %add3A_24, [1, 0] : vector<256x16xf32> -> vector<16x256xf32>
    %slice3A_234 = vector.extract_strided_slice %transpose3A_233 {offsets = [0, 0], sizes = [1, 256], strides = [1, 1]} : vector<16x256xf32> to vector<1x256xf32>
    %slice3A_235 = vector.extract_strided_slice %transpose3A_233 {offsets = [1, 0], sizes = [1, 256], strides = [1, 1]} : vector<16x256xf32> to vector<1x256xf32>
    %slice3A_236 = vector.extract_strided_slice %transpose3A_233 {offsets = [2, 0], sizes = [1, 256], strides = [1, 1]} : vector<16x256xf32> to vector<1x256xf32>
    %sub3A_237 = vector.broadcast %slice3A : vector<256x1xf32> to vector<256x256xf32>
    %sub3A_238 = vector.broadcast %slice3A_234 : vector<1x256xf32> to vector<256x256xf32>
    %sub3A_239 = arith.subf %sub3A_237, %sub3A_238 : vector<256x256xf32>
    %sub3A_240 = vector.broadcast %slice3A_69 : vector<256x1xf32> to vector<256x256xf32>
    %sub3A_241 = vector.broadcast %slice3A_235 : vector<1x256xf32> to vector<256x256xf32>
    %sub3A_242 = arith.subf %sub3A_240, %sub3A_241 : vector<256x256xf32>
    %sub3A_243 = vector.broadcast %slice3A_70 : vector<256x1xf32> to vector<256x256xf32>
    %sub3A_244 = vector.broadcast %slice3A_236 : vector<1x256xf32> to vector<256x256xf32>
    %sub3A_245 = arith.subf %sub3A_243, %sub3A_244 : vector<256x256xf32>
    %mul3A_246 = arith.mulf %sub3A_239, %sub3A_239 : vector<256x256xf32>
    %mul3A_247 = arith.mulf %sub3A_242, %sub3A_242 : vector<256x256xf32>
    %add3A_248 = arith.addf %mul3A_246, %mul3A_247 : vector<256x256xf32>
    %mul3A_249 = arith.mulf %sub3A_245, %sub3A_245 : vector<256x256xf32>
    %add3A_250 = arith.addf %add3A_248, %mul3A_249 : vector<256x256xf32>
    %sqrt3A = math.sqrt %add3A_250 : vector<256x256xf32>
    %iota3A_251 = tpu.iota {dimensions = array<i32: 1>} : vector<256x256xi32>
    %convert_element_type3A_252 = arith.sitofp %iota3A_251 : vector<256x256xi32> to vector<256x256xf32>
    %broadcast_in_dim3A_253 = arith.constant 0.000000e+00 : f32
    %broadcast_in_dim3A_254 = vector.broadcast %broadcast_in_dim3A_253 : f32 to vector<256x256xf32>
    %reduce_min3A_255 = arith.constant dense<0x7F800000> : vector<256xf32>
    %reduce_min3A_256 = vector.multi_reduction <minimumf>, %sqrt3A, %reduce_min3A_255 [1] : vector<256x256xf32> to vector<256xf32>
    %broadcast_in_dim3A_257 = vector.shape_cast %reduce_min3A_256 : vector<256xf32> to vector<256x1xf32>
    %eq3A_258 = vector.broadcast %broadcast_in_dim3A_257 : vector<256x1xf32> to vector<256x256xf32>
    %eq3A_259 = arith.cmpf oeq, %sqrt3A, %eq3A_258 : vector<256x256xf32>
    %jit3A_260 = arith.constant 4.096000e+03 : f32
    %broadcast_in_dim3A_261 = vector.broadcast %jit3A_260 : f32 to vector<256x256xf32>
    %select_n3A_262 = arith.select %eq3A_259, %convert_element_type3A_252, %broadcast_in_dim3A_261 : vector<256x256xi1>, vector<256x256xf32>
    %reduce_min3A_263 = arith.constant dense<0x7F800000> : vector<256xf32>
    %reduce_min3A_264 = vector.multi_reduction <minimumf>, %select_n3A_262, %reduce_min3A_263 [1] : vector<256x256xf32> to vector<256xf32>
    %broadcast_in_dim3A_265 = vector.shape_cast %reduce_min3A_264 : vector<256xf32> to vector<256x1xf32>
    %eq3A_266 = vector.broadcast %broadcast_in_dim3A_265 : vector<256x1xf32> to vector<256x256xf32>
    %eq3A_267 = arith.cmpf oeq, %convert_element_type3A_252, %eq3A_266 : vector<256x256xf32>
    %jit3A_268 = arith.constant 1.000000e+00 : f32
    %broadcast_in_dim3A_269 = vector.broadcast %jit3A_268 : f32 to vector<256x256xf32>
    %select_n3A_270 = arith.select %eq3A_267, %broadcast_in_dim3A_269, %broadcast_in_dim3A_254 : vector<256x256xi1>, vector<256x256xf32>
    %jit3A_271 = arith.constant 1.000000e+30 : f32
    %broadcast_in_dim3A_272 = vector.broadcast %jit3A_271 : f32 to vector<256x256xf32>
    %select_n3A_273 = arith.select %eq3A_267, %broadcast_in_dim3A_272, %sqrt3A : vector<256x256xi1>, vector<256x256xf32>
    %reduce_min3A_274 = arith.constant dense<0x7F800000> : vector<256xf32>
    %reduce_min3A_275 = vector.multi_reduction <minimumf>, %select_n3A_273, %reduce_min3A_274 [1] : vector<256x256xf32> to vector<256xf32>
    %broadcast_in_dim3A_276 = vector.shape_cast %reduce_min3A_275 : vector<256xf32> to vector<256x1xf32>
    %eq3A_277 = vector.broadcast %broadcast_in_dim3A_276 : vector<256x1xf32> to vector<256x256xf32>
    %eq3A_278 = arith.cmpf oeq, %select_n3A_273, %eq3A_277 : vector<256x256xf32>
    %jit3A_279 = arith.constant 4.096000e+03 : f32
    %broadcast_in_dim3A_280 = vector.broadcast %jit3A_279 : f32 to vector<256x256xf32>
    %select_n3A_281 = arith.select %eq3A_278, %convert_element_type3A_252, %broadcast_in_dim3A_280 : vector<256x256xi1>, vector<256x256xf32>
    %reduce_min3A_282 = arith.constant dense<0x7F800000> : vector<256xf32>
    %reduce_min3A_283 = vector.multi_reduction <minimumf>, %select_n3A_281, %reduce_min3A_282 [1] : vector<256x256xf32> to vector<256xf32>
    %broadcast_in_dim3A_284 = vector.shape_cast %reduce_min3A_283 : vector<256xf32> to vector<256x1xf32>
    %eq3A_285 = vector.broadcast %broadcast_in_dim3A_284 : vector<256x1xf32> to vector<256x256xf32>
    %eq3A_286 = arith.cmpf oeq, %convert_element_type3A_252, %eq3A_285 : vector<256x256xf32>
    %jit3A_287 = arith.constant 1.000000e+00 : f32
    %broadcast_in_dim3A_288 = vector.broadcast %jit3A_287 : f32 to vector<256x256xf32>
    %select_n3A_289 = arith.select %eq3A_286, %broadcast_in_dim3A_288, %select_n3A_270 : vector<256x256xi1>, vector<256x256xf32>
    %jit3A_290 = arith.constant 1.000000e+30 : f32
    %broadcast_in_dim3A_291 = vector.broadcast %jit3A_290 : f32 to vector<256x256xf32>
    %select_n3A_292 = arith.select %eq3A_286, %broadcast_in_dim3A_291, %select_n3A_273 : vector<256x256xi1>, vector<256x256xf32>
    %reduce_min3A_293 = arith.constant dense<0x7F800000> : vector<256xf32>
    %reduce_min3A_294 = vector.multi_reduction <minimumf>, %select_n3A_292, %reduce_min3A_293 [1] : vector<256x256xf32> to vector<256xf32>
    %broadcast_in_dim3A_295 = vector.shape_cast %reduce_min3A_294 : vector<256xf32> to vector<256x1xf32>
    %eq3A_296 = vector.broadcast %broadcast_in_dim3A_295 : vector<256x1xf32> to vector<256x256xf32>
    %eq3A_297 = arith.cmpf oeq, %select_n3A_292, %eq3A_296 : vector<256x256xf32>
    %jit3A_298 = arith.constant 4.096000e+03 : f32
    %broadcast_in_dim3A_299 = vector.broadcast %jit3A_298 : f32 to vector<256x256xf32>
    %select_n3A_300 = arith.select %eq3A_297, %convert_element_type3A_252, %broadcast_in_dim3A_299 : vector<256x256xi1>, vector<256x256xf32>
    %reduce_min3A_301 = arith.constant dense<0x7F800000> : vector<256xf32>
    %reduce_min3A_302 = vector.multi_reduction <minimumf>, %select_n3A_300, %reduce_min3A_301 [1] : vector<256x256xf32> to vector<256xf32>
    %broadcast_in_dim3A_303 = vector.shape_cast %reduce_min3A_302 : vector<256xf32> to vector<256x1xf32>
    %eq3A_304 = vector.broadcast %broadcast_in_dim3A_303 : vector<256x1xf32> to vector<256x256xf32>
    %eq3A_305 = arith.cmpf oeq, %convert_element_type3A_252, %eq3A_304 : vector<256x256xf32>
    %jit3A_306 = arith.constant 1.000000e+00 : f32
    %broadcast_in_dim3A_307 = vector.broadcast %jit3A_306 : f32 to vector<256x256xf32>
    %select_n3A_308 = arith.select %eq3A_305, %broadcast_in_dim3A_307, %select_n3A_289 : vector<256x256xi1>, vector<256x256xf32>
    %jit3A_309 = arith.constant 1.000000e+30 : f32
    %broadcast_in_dim3A_310 = vector.broadcast %jit3A_309 : f32 to vector<256x256xf32>
    %select_n3A_311 = arith.select %eq3A_305, %broadcast_in_dim3A_310, %select_n3A_292 : vector<256x256xi1>, vector<256x256xf32>
    %reduce_min3A_312 = arith.constant dense<0x7F800000> : vector<256xf32>
    %reduce_min3A_313 = vector.multi_reduction <minimumf>, %select_n3A_311, %reduce_min3A_312 [1] : vector<256x256xf32> to vector<256xf32>
    %broadcast_in_dim3A_314 = vector.shape_cast %reduce_min3A_313 : vector<256xf32> to vector<256x1xf32>
    %eq3A_315 = vector.broadcast %broadcast_in_dim3A_314 : vector<256x1xf32> to vector<256x256xf32>
    %eq3A_316 = arith.cmpf oeq, %select_n3A_311, %eq3A_315 : vector<256x256xf32>
    %jit3A_317 = arith.constant 4.096000e+03 : f32
    %broadcast_in_dim3A_318 = vector.broadcast %jit3A_317 : f32 to vector<256x256xf32>
    %select_n3A_319 = arith.select %eq3A_316, %convert_element_type3A_252, %broadcast_in_dim3A_318 : vector<256x256xi1>, vector<256x256xf32>
    %reduce_min3A_320 = arith.constant dense<0x7F800000> : vector<256xf32>
    %reduce_min3A_321 = vector.multi_reduction <minimumf>, %select_n3A_319, %reduce_min3A_320 [1] : vector<256x256xf32> to vector<256xf32>
    %broadcast_in_dim3A_322 = vector.shape_cast %reduce_min3A_321 : vector<256xf32> to vector<256x1xf32>
    %eq3A_323 = vector.broadcast %broadcast_in_dim3A_322 : vector<256x1xf32> to vector<256x256xf32>
    %eq3A_324 = arith.cmpf oeq, %convert_element_type3A_252, %eq3A_323 : vector<256x256xf32>
    %jit3A_325 = arith.constant 1.000000e+00 : f32
    %broadcast_in_dim3A_326 = vector.broadcast %jit3A_325 : f32 to vector<256x256xf32>
    %select_n3A_327 = arith.select %eq3A_324, %broadcast_in_dim3A_326, %select_n3A_308 : vector<256x256xi1>, vector<256x256xf32>
    %jit3A_328 = arith.constant 1.000000e+30 : f32
    %broadcast_in_dim3A_329 = vector.broadcast %jit3A_328 : f32 to vector<256x256xf32>
    %select_n3A_330 = arith.select %eq3A_324, %broadcast_in_dim3A_329, %select_n3A_311 : vector<256x256xi1>, vector<256x256xf32>
    %reduce_min3A_331 = arith.constant dense<0x7F800000> : vector<256xf32>
    %reduce_min3A_332 = vector.multi_reduction <minimumf>, %select_n3A_330, %reduce_min3A_331 [1] : vector<256x256xf32> to vector<256xf32>
    %broadcast_in_dim3A_333 = vector.shape_cast %reduce_min3A_332 : vector<256xf32> to vector<256x1xf32>
    %eq3A_334 = vector.broadcast %broadcast_in_dim3A_333 : vector<256x1xf32> to vector<256x256xf32>
    %eq3A_335 = arith.cmpf oeq, %select_n3A_330, %eq3A_334 : vector<256x256xf32>
    %jit3A_336 = arith.constant 4.096000e+03 : f32
    %broadcast_in_dim3A_337 = vector.broadcast %jit3A_336 : f32 to vector<256x256xf32>
    %select_n3A_338 = arith.select %eq3A_335, %convert_element_type3A_252, %broadcast_in_dim3A_337 : vector<256x256xi1>, vector<256x256xf32>
    %reduce_min3A_339 = arith.constant dense<0x7F800000> : vector<256xf32>
    %reduce_min3A_340 = vector.multi_reduction <minimumf>, %select_n3A_338, %reduce_min3A_339 [1] : vector<256x256xf32> to vector<256xf32>
    %broadcast_in_dim3A_341 = vector.shape_cast %reduce_min3A_340 : vector<256xf32> to vector<256x1xf32>
    %eq3A_342 = vector.broadcast %broadcast_in_dim3A_341 : vector<256x1xf32> to vector<256x256xf32>
    %eq3A_343 = arith.cmpf oeq, %convert_element_type3A_252, %eq3A_342 : vector<256x256xf32>
    %jit3A_344 = arith.constant 1.000000e+00 : f32
    %broadcast_in_dim3A_345 = vector.broadcast %jit3A_344 : f32 to vector<256x256xf32>
    %select_n3A_346 = arith.select %eq3A_343, %broadcast_in_dim3A_345, %select_n3A_327 : vector<256x256xi1>, vector<256x256xf32>
    %jit3A_347 = arith.constant 1.000000e+30 : f32
    %broadcast_in_dim3A_348 = vector.broadcast %jit3A_347 : f32 to vector<256x256xf32>
    %select_n3A_349 = arith.select %eq3A_343, %broadcast_in_dim3A_348, %select_n3A_330 : vector<256x256xi1>, vector<256x256xf32>
    %reduce_min3A_350 = arith.constant dense<0x7F800000> : vector<256xf32>
    %reduce_min3A_351 = vector.multi_reduction <minimumf>, %select_n3A_349, %reduce_min3A_350 [1] : vector<256x256xf32> to vector<256xf32>
    %broadcast_in_dim3A_352 = vector.shape_cast %reduce_min3A_351 : vector<256xf32> to vector<256x1xf32>
    %eq3A_353 = vector.broadcast %broadcast_in_dim3A_352 : vector<256x1xf32> to vector<256x256xf32>
    %eq3A_354 = arith.cmpf oeq, %select_n3A_349, %eq3A_353 : vector<256x256xf32>
    %jit3A_355 = arith.constant 4.096000e+03 : f32
    %broadcast_in_dim3A_356 = vector.broadcast %jit3A_355 : f32 to vector<256x256xf32>
    %select_n3A_357 = arith.select %eq3A_354, %convert_element_type3A_252, %broadcast_in_dim3A_356 : vector<256x256xi1>, vector<256x256xf32>
    %reduce_min3A_358 = arith.constant dense<0x7F800000> : vector<256xf32>
    %reduce_min3A_359 = vector.multi_reduction <minimumf>, %select_n3A_357, %reduce_min3A_358 [1] : vector<256x256xf32> to vector<256xf32>
    %broadcast_in_dim3A_360 = vector.shape_cast %reduce_min3A_359 : vector<256xf32> to vector<256x1xf32>
    %eq3A_361 = vector.broadcast %broadcast_in_dim3A_360 : vector<256x1xf32> to vector<256x256xf32>
    %eq3A_362 = arith.cmpf oeq, %convert_element_type3A_252, %eq3A_361 : vector<256x256xf32>
    %jit3A_363 = arith.constant 1.000000e+00 : f32
    %broadcast_in_dim3A_364 = vector.broadcast %jit3A_363 : f32 to vector<256x256xf32>
    %select_n3A_365 = arith.select %eq3A_362, %broadcast_in_dim3A_364, %select_n3A_346 : vector<256x256xi1>, vector<256x256xf32>
    %jit3A_366 = arith.constant 1.000000e+30 : f32
    %broadcast_in_dim3A_367 = vector.broadcast %jit3A_366 : f32 to vector<256x256xf32>
    %select_n3A_368 = arith.select %eq3A_362, %broadcast_in_dim3A_367, %select_n3A_349 : vector<256x256xi1>, vector<256x256xf32>
    %reduce_min3A_369 = arith.constant dense<0x7F800000> : vector<256xf32>
    %reduce_min3A_370 = vector.multi_reduction <minimumf>, %select_n3A_368, %reduce_min3A_369 [1] : vector<256x256xf32> to vector<256xf32>
    %broadcast_in_dim3A_371 = vector.shape_cast %reduce_min3A_370 : vector<256xf32> to vector<256x1xf32>
    %eq3A_372 = vector.broadcast %broadcast_in_dim3A_371 : vector<256x1xf32> to vector<256x256xf32>
    %eq3A_373 = arith.cmpf oeq, %select_n3A_368, %eq3A_372 : vector<256x256xf32>
    %jit3A_374 = arith.constant 4.096000e+03 : f32
    %broadcast_in_dim3A_375 = vector.broadcast %jit3A_374 : f32 to vector<256x256xf32>
    %select_n3A_376 = arith.select %eq3A_373, %convert_element_type3A_252, %broadcast_in_dim3A_375 : vector<256x256xi1>, vector<256x256xf32>
    %reduce_min3A_377 = arith.constant dense<0x7F800000> : vector<256xf32>
    %reduce_min3A_378 = vector.multi_reduction <minimumf>, %select_n3A_376, %reduce_min3A_377 [1] : vector<256x256xf32> to vector<256xf32>
    %broadcast_in_dim3A_379 = vector.shape_cast %reduce_min3A_378 : vector<256xf32> to vector<256x1xf32>
    %eq3A_380 = vector.broadcast %broadcast_in_dim3A_379 : vector<256x1xf32> to vector<256x256xf32>
    %eq3A_381 = arith.cmpf oeq, %convert_element_type3A_252, %eq3A_380 : vector<256x256xf32>
    %jit3A_382 = arith.constant 1.000000e+00 : f32
    %broadcast_in_dim3A_383 = vector.broadcast %jit3A_382 : f32 to vector<256x256xf32>
    %select_n3A_384 = arith.select %eq3A_381, %broadcast_in_dim3A_383, %select_n3A_365 : vector<256x256xi1>, vector<256x256xf32>
    %jit3A_385 = arith.constant 1.000000e+30 : f32
    %broadcast_in_dim3A_386 = vector.broadcast %jit3A_385 : f32 to vector<256x256xf32>
    %select_n3A_387 = arith.select %eq3A_381, %broadcast_in_dim3A_386, %select_n3A_368 : vector<256x256xi1>, vector<256x256xf32>
    %reduce_min3A_388 = arith.constant dense<0x7F800000> : vector<256xf32>
    %reduce_min3A_389 = vector.multi_reduction <minimumf>, %select_n3A_387, %reduce_min3A_388 [1] : vector<256x256xf32> to vector<256xf32>
    %broadcast_in_dim3A_390 = vector.shape_cast %reduce_min3A_389 : vector<256xf32> to vector<256x1xf32>
    %eq3A_391 = vector.broadcast %broadcast_in_dim3A_390 : vector<256x1xf32> to vector<256x256xf32>
    %eq3A_392 = arith.cmpf oeq, %select_n3A_387, %eq3A_391 : vector<256x256xf32>
    %jit3A_393 = arith.constant 4.096000e+03 : f32
    %broadcast_in_dim3A_394 = vector.broadcast %jit3A_393 : f32 to vector<256x256xf32>
    %select_n3A_395 = arith.select %eq3A_392, %convert_element_type3A_252, %broadcast_in_dim3A_394 : vector<256x256xi1>, vector<256x256xf32>
    %reduce_min3A_396 = arith.constant dense<0x7F800000> : vector<256xf32>
    %reduce_min3A_397 = vector.multi_reduction <minimumf>, %select_n3A_395, %reduce_min3A_396 [1] : vector<256x256xf32> to vector<256xf32>
    %broadcast_in_dim3A_398 = vector.shape_cast %reduce_min3A_397 : vector<256xf32> to vector<256x1xf32>
    %eq3A_399 = vector.broadcast %broadcast_in_dim3A_398 : vector<256x1xf32> to vector<256x256xf32>
    %eq3A_400 = arith.cmpf oeq, %convert_element_type3A_252, %eq3A_399 : vector<256x256xf32>
    %jit3A_401 = arith.constant 1.000000e+00 : f32
    %broadcast_in_dim3A_402 = vector.broadcast %jit3A_401 : f32 to vector<256x256xf32>
    %select_n3A_403 = arith.select %eq3A_400, %broadcast_in_dim3A_402, %select_n3A_384 : vector<256x256xi1>, vector<256x256xf32>
    %jit3A_404 = arith.constant 1.000000e+30 : f32
    %broadcast_in_dim3A_405 = vector.broadcast %jit3A_404 : f32 to vector<256x256xf32>
    %select_n3A_406 = arith.select %eq3A_400, %broadcast_in_dim3A_405, %select_n3A_387 : vector<256x256xi1>, vector<256x256xf32>
    %reduce_min3A_407 = arith.constant dense<0x7F800000> : vector<256xf32>
    %reduce_min3A_408 = vector.multi_reduction <minimumf>, %select_n3A_406, %reduce_min3A_407 [1] : vector<256x256xf32> to vector<256xf32>
    %broadcast_in_dim3A_409 = vector.shape_cast %reduce_min3A_408 : vector<256xf32> to vector<256x1xf32>
    %eq3A_410 = vector.broadcast %broadcast_in_dim3A_409 : vector<256x1xf32> to vector<256x256xf32>
    %eq3A_411 = arith.cmpf oeq, %select_n3A_406, %eq3A_410 : vector<256x256xf32>
    %jit3A_412 = arith.constant 4.096000e+03 : f32
    %broadcast_in_dim3A_413 = vector.broadcast %jit3A_412 : f32 to vector<256x256xf32>
    %select_n3A_414 = arith.select %eq3A_411, %convert_element_type3A_252, %broadcast_in_dim3A_413 : vector<256x256xi1>, vector<256x256xf32>
    %reduce_min3A_415 = arith.constant dense<0x7F800000> : vector<256xf32>
    %reduce_min3A_416 = vector.multi_reduction <minimumf>, %select_n3A_414, %reduce_min3A_415 [1] : vector<256x256xf32> to vector<256xf32>
    %broadcast_in_dim3A_417 = vector.shape_cast %reduce_min3A_416 : vector<256xf32> to vector<256x1xf32>
    %eq3A_418 = vector.broadcast %broadcast_in_dim3A_417 : vector<256x1xf32> to vector<256x256xf32>
    %eq3A_419 = arith.cmpf oeq, %convert_element_type3A_252, %eq3A_418 : vector<256x256xf32>
    %jit3A_420 = arith.constant 1.000000e+00 : f32
    %broadcast_in_dim3A_421 = vector.broadcast %jit3A_420 : f32 to vector<256x256xf32>
    %select_n3A_422 = arith.select %eq3A_419, %broadcast_in_dim3A_421, %select_n3A_403 : vector<256x256xi1>, vector<256x256xf32>
    %jit3A_423 = arith.constant 1.000000e+30 : f32
    %broadcast_in_dim3A_424 = vector.broadcast %jit3A_423 : f32 to vector<256x256xf32>
    %select_n3A_425 = arith.select %eq3A_419, %broadcast_in_dim3A_424, %select_n3A_406 : vector<256x256xi1>, vector<256x256xf32>
    %reduce_min3A_426 = arith.constant dense<0x7F800000> : vector<256xf32>
    %reduce_min3A_427 = vector.multi_reduction <minimumf>, %select_n3A_425, %reduce_min3A_426 [1] : vector<256x256xf32> to vector<256xf32>
    %broadcast_in_dim3A_428 = vector.shape_cast %reduce_min3A_427 : vector<256xf32> to vector<256x1xf32>
    %eq3A_429 = vector.broadcast %broadcast_in_dim3A_428 : vector<256x1xf32> to vector<256x256xf32>
    %eq3A_430 = arith.cmpf oeq, %select_n3A_425, %eq3A_429 : vector<256x256xf32>
    %jit3A_431 = arith.constant 4.096000e+03 : f32
    %broadcast_in_dim3A_432 = vector.broadcast %jit3A_431 : f32 to vector<256x256xf32>
    %select_n3A_433 = arith.select %eq3A_430, %convert_element_type3A_252, %broadcast_in_dim3A_432 : vector<256x256xi1>, vector<256x256xf32>
    %reduce_min3A_434 = arith.constant dense<0x7F800000> : vector<256xf32>
    %reduce_min3A_435 = vector.multi_reduction <minimumf>, %select_n3A_433, %reduce_min3A_434 [1] : vector<256x256xf32> to vector<256xf32>
    %broadcast_in_dim3A_436 = vector.shape_cast %reduce_min3A_435 : vector<256xf32> to vector<256x1xf32>
    %eq3A_437 = vector.broadcast %broadcast_in_dim3A_436 : vector<256x1xf32> to vector<256x256xf32>
    %eq3A_438 = arith.cmpf oeq, %convert_element_type3A_252, %eq3A_437 : vector<256x256xf32>
    %jit3A_439 = arith.constant 1.000000e+00 : f32
    %broadcast_in_dim3A_440 = vector.broadcast %jit3A_439 : f32 to vector<256x256xf32>
    %select_n3A_441 = arith.select %eq3A_438, %broadcast_in_dim3A_440, %select_n3A_422 : vector<256x256xi1>, vector<256x256xf32>
    %jit3A_442 = arith.constant 1.000000e+30 : f32
    %broadcast_in_dim3A_443 = vector.broadcast %jit3A_442 : f32 to vector<256x256xf32>
    %select_n3A_444 = arith.select %eq3A_438, %broadcast_in_dim3A_443, %select_n3A_425 : vector<256x256xi1>, vector<256x256xf32>
    %reduce_min3A_445 = arith.constant dense<0x7F800000> : vector<256xf32>
    %reduce_min3A_446 = vector.multi_reduction <minimumf>, %select_n3A_444, %reduce_min3A_445 [1] : vector<256x256xf32> to vector<256xf32>
    %broadcast_in_dim3A_447 = vector.shape_cast %reduce_min3A_446 : vector<256xf32> to vector<256x1xf32>
    %eq3A_448 = vector.broadcast %broadcast_in_dim3A_447 : vector<256x1xf32> to vector<256x256xf32>
    %eq3A_449 = arith.cmpf oeq, %select_n3A_444, %eq3A_448 : vector<256x256xf32>
    %jit3A_450 = arith.constant 4.096000e+03 : f32
    %broadcast_in_dim3A_451 = vector.broadcast %jit3A_450 : f32 to vector<256x256xf32>
    %select_n3A_452 = arith.select %eq3A_449, %convert_element_type3A_252, %broadcast_in_dim3A_451 : vector<256x256xi1>, vector<256x256xf32>
    %reduce_min3A_453 = arith.constant dense<0x7F800000> : vector<256xf32>
    %reduce_min3A_454 = vector.multi_reduction <minimumf>, %select_n3A_452, %reduce_min3A_453 [1] : vector<256x256xf32> to vector<256xf32>
    %broadcast_in_dim3A_455 = vector.shape_cast %reduce_min3A_454 : vector<256xf32> to vector<256x1xf32>
    %eq3A_456 = vector.broadcast %broadcast_in_dim3A_455 : vector<256x1xf32> to vector<256x256xf32>
    %eq3A_457 = arith.cmpf oeq, %convert_element_type3A_252, %eq3A_456 : vector<256x256xf32>
    %jit3A_458 = arith.constant 1.000000e+00 : f32
    %broadcast_in_dim3A_459 = vector.broadcast %jit3A_458 : f32 to vector<256x256xf32>
    %select_n3A_460 = arith.select %eq3A_457, %broadcast_in_dim3A_459, %select_n3A_441 : vector<256x256xi1>, vector<256x256xf32>
    %jit3A_461 = arith.constant 1.000000e+30 : f32
    %broadcast_in_dim3A_462 = vector.broadcast %jit3A_461 : f32 to vector<256x256xf32>
    %select_n3A_463 = arith.select %eq3A_457, %broadcast_in_dim3A_462, %select_n3A_444 : vector<256x256xi1>, vector<256x256xf32>
    %reduce_min3A_464 = arith.constant dense<0x7F800000> : vector<256xf32>
    %reduce_min3A_465 = vector.multi_reduction <minimumf>, %select_n3A_463, %reduce_min3A_464 [1] : vector<256x256xf32> to vector<256xf32>
    %broadcast_in_dim3A_466 = vector.shape_cast %reduce_min3A_465 : vector<256xf32> to vector<256x1xf32>
    %eq3A_467 = vector.broadcast %broadcast_in_dim3A_466 : vector<256x1xf32> to vector<256x256xf32>
    %eq3A_468 = arith.cmpf oeq, %select_n3A_463, %eq3A_467 : vector<256x256xf32>
    %jit3A_469 = arith.constant 4.096000e+03 : f32
    %broadcast_in_dim3A_470 = vector.broadcast %jit3A_469 : f32 to vector<256x256xf32>
    %select_n3A_471 = arith.select %eq3A_468, %convert_element_type3A_252, %broadcast_in_dim3A_470 : vector<256x256xi1>, vector<256x256xf32>
    %reduce_min3A_472 = arith.constant dense<0x7F800000> : vector<256xf32>
    %reduce_min3A_473 = vector.multi_reduction <minimumf>, %select_n3A_471, %reduce_min3A_472 [1] : vector<256x256xf32> to vector<256xf32>
    %broadcast_in_dim3A_474 = vector.shape_cast %reduce_min3A_473 : vector<256xf32> to vector<256x1xf32>
    %eq3A_475 = vector.broadcast %broadcast_in_dim3A_474 : vector<256x1xf32> to vector<256x256xf32>
    %eq3A_476 = arith.cmpf oeq, %convert_element_type3A_252, %eq3A_475 : vector<256x256xf32>
    %jit3A_477 = arith.constant 1.000000e+00 : f32
    %broadcast_in_dim3A_478 = vector.broadcast %jit3A_477 : f32 to vector<256x256xf32>
    %select_n3A_479 = arith.select %eq3A_476, %broadcast_in_dim3A_478, %select_n3A_460 : vector<256x256xi1>, vector<256x256xf32>
    %jit3A_480 = arith.constant 1.000000e+30 : f32
    %broadcast_in_dim3A_481 = vector.broadcast %jit3A_480 : f32 to vector<256x256xf32>
    %select_n3A_482 = arith.select %eq3A_476, %broadcast_in_dim3A_481, %select_n3A_463 : vector<256x256xi1>, vector<256x256xf32>
    %reduce_min3A_483 = arith.constant dense<0x7F800000> : vector<256xf32>
    %reduce_min3A_484 = vector.multi_reduction <minimumf>, %select_n3A_482, %reduce_min3A_483 [1] : vector<256x256xf32> to vector<256xf32>
    %broadcast_in_dim3A_485 = vector.shape_cast %reduce_min3A_484 : vector<256xf32> to vector<256x1xf32>
    %eq3A_486 = vector.broadcast %broadcast_in_dim3A_485 : vector<256x1xf32> to vector<256x256xf32>
    %eq3A_487 = arith.cmpf oeq, %select_n3A_482, %eq3A_486 : vector<256x256xf32>
    %jit3A_488 = arith.constant 4.096000e+03 : f32
    %broadcast_in_dim3A_489 = vector.broadcast %jit3A_488 : f32 to vector<256x256xf32>
    %select_n3A_490 = arith.select %eq3A_487, %convert_element_type3A_252, %broadcast_in_dim3A_489 : vector<256x256xi1>, vector<256x256xf32>
    %reduce_min3A_491 = arith.constant dense<0x7F800000> : vector<256xf32>
    %reduce_min3A_492 = vector.multi_reduction <minimumf>, %select_n3A_490, %reduce_min3A_491 [1] : vector<256x256xf32> to vector<256xf32>
    %broadcast_in_dim3A_493 = vector.shape_cast %reduce_min3A_492 : vector<256xf32> to vector<256x1xf32>
    %eq3A_494 = vector.broadcast %broadcast_in_dim3A_493 : vector<256x1xf32> to vector<256x256xf32>
    %eq3A_495 = arith.cmpf oeq, %convert_element_type3A_252, %eq3A_494 : vector<256x256xf32>
    %jit3A_496 = arith.constant 1.000000e+00 : f32
    %broadcast_in_dim3A_497 = vector.broadcast %jit3A_496 : f32 to vector<256x256xf32>
    %select_n3A_498 = arith.select %eq3A_495, %broadcast_in_dim3A_497, %select_n3A_479 : vector<256x256xi1>, vector<256x256xf32>
    %jit3A_499 = arith.constant 1.000000e+30 : f32
    %broadcast_in_dim3A_500 = vector.broadcast %jit3A_499 : f32 to vector<256x256xf32>
    %select_n3A_501 = arith.select %eq3A_495, %broadcast_in_dim3A_500, %select_n3A_482 : vector<256x256xi1>, vector<256x256xf32>
    %reduce_min3A_502 = arith.constant dense<0x7F800000> : vector<256xf32>
    %reduce_min3A_503 = vector.multi_reduction <minimumf>, %select_n3A_501, %reduce_min3A_502 [1] : vector<256x256xf32> to vector<256xf32>
    %broadcast_in_dim3A_504 = vector.shape_cast %reduce_min3A_503 : vector<256xf32> to vector<256x1xf32>
    %eq3A_505 = vector.broadcast %broadcast_in_dim3A_504 : vector<256x1xf32> to vector<256x256xf32>
    %eq3A_506 = arith.cmpf oeq, %select_n3A_501, %eq3A_505 : vector<256x256xf32>
    %jit3A_507 = arith.constant 4.096000e+03 : f32
    %broadcast_in_dim3A_508 = vector.broadcast %jit3A_507 : f32 to vector<256x256xf32>
    %select_n3A_509 = arith.select %eq3A_506, %convert_element_type3A_252, %broadcast_in_dim3A_508 : vector<256x256xi1>, vector<256x256xf32>
    %reduce_min3A_510 = arith.constant dense<0x7F800000> : vector<256xf32>
    %reduce_min3A_511 = vector.multi_reduction <minimumf>, %select_n3A_509, %reduce_min3A_510 [1] : vector<256x256xf32> to vector<256xf32>
    %broadcast_in_dim3A_512 = vector.shape_cast %reduce_min3A_511 : vector<256xf32> to vector<256x1xf32>
    %eq3A_513 = vector.broadcast %broadcast_in_dim3A_512 : vector<256x1xf32> to vector<256x256xf32>
    %eq3A_514 = arith.cmpf oeq, %convert_element_type3A_252, %eq3A_513 : vector<256x256xf32>
    %jit3A_515 = arith.constant 1.000000e+00 : f32
    %broadcast_in_dim3A_516 = vector.broadcast %jit3A_515 : f32 to vector<256x256xf32>
    %select_n3A_517 = arith.select %eq3A_514, %broadcast_in_dim3A_516, %select_n3A_498 : vector<256x256xi1>, vector<256x256xf32>
    %jit3A_518 = arith.constant 1.000000e+30 : f32
    %broadcast_in_dim3A_519 = vector.broadcast %jit3A_518 : f32 to vector<256x256xf32>
    %select_n3A_520 = arith.select %eq3A_514, %broadcast_in_dim3A_519, %select_n3A_501 : vector<256x256xi1>, vector<256x256xf32>
    %reduce_min3A_521 = arith.constant dense<0x7F800000> : vector<256xf32>
    %reduce_min3A_522 = vector.multi_reduction <minimumf>, %select_n3A_520, %reduce_min3A_521 [1] : vector<256x256xf32> to vector<256xf32>
    %broadcast_in_dim3A_523 = vector.shape_cast %reduce_min3A_522 : vector<256xf32> to vector<256x1xf32>
    %eq3A_524 = vector.broadcast %broadcast_in_dim3A_523 : vector<256x1xf32> to vector<256x256xf32>
    %eq3A_525 = arith.cmpf oeq, %select_n3A_520, %eq3A_524 : vector<256x256xf32>
    %jit3A_526 = arith.constant 4.096000e+03 : f32
    %broadcast_in_dim3A_527 = vector.broadcast %jit3A_526 : f32 to vector<256x256xf32>
    %select_n3A_528 = arith.select %eq3A_525, %convert_element_type3A_252, %broadcast_in_dim3A_527 : vector<256x256xi1>, vector<256x256xf32>
    %reduce_min3A_529 = arith.constant dense<0x7F800000> : vector<256xf32>
    %reduce_min3A_530 = vector.multi_reduction <minimumf>, %select_n3A_528, %reduce_min3A_529 [1] : vector<256x256xf32> to vector<256xf32>
    %broadcast_in_dim3A_531 = vector.shape_cast %reduce_min3A_530 : vector<256xf32> to vector<256x1xf32>
    %eq3A_532 = vector.broadcast %broadcast_in_dim3A_531 : vector<256x1xf32> to vector<256x256xf32>
    %eq3A_533 = arith.cmpf oeq, %convert_element_type3A_252, %eq3A_532 : vector<256x256xf32>
    %jit3A_534 = arith.constant 1.000000e+00 : f32
    %broadcast_in_dim3A_535 = vector.broadcast %jit3A_534 : f32 to vector<256x256xf32>
    %select_n3A_536 = arith.select %eq3A_533, %broadcast_in_dim3A_535, %select_n3A_517 : vector<256x256xi1>, vector<256x256xf32>
    %jit3A_537 = arith.constant 1.000000e+30 : f32
    %broadcast_in_dim3A_538 = vector.broadcast %jit3A_537 : f32 to vector<256x256xf32>
    %select_n3A_539 = arith.select %eq3A_533, %broadcast_in_dim3A_538, %select_n3A_520 : vector<256x256xi1>, vector<256x256xf32>
    %reduce_min3A_540 = arith.constant dense<0x7F800000> : vector<256xf32>
    %reduce_min3A_541 = vector.multi_reduction <minimumf>, %select_n3A_539, %reduce_min3A_540 [1] : vector<256x256xf32> to vector<256xf32>
    %broadcast_in_dim3A_542 = vector.shape_cast %reduce_min3A_541 : vector<256xf32> to vector<256x1xf32>
    %eq3A_543 = vector.broadcast %broadcast_in_dim3A_542 : vector<256x1xf32> to vector<256x256xf32>
    %eq3A_544 = arith.cmpf oeq, %select_n3A_539, %eq3A_543 : vector<256x256xf32>
    %jit3A_545 = arith.constant 4.096000e+03 : f32
    %broadcast_in_dim3A_546 = vector.broadcast %jit3A_545 : f32 to vector<256x256xf32>
    %select_n3A_547 = arith.select %eq3A_544, %convert_element_type3A_252, %broadcast_in_dim3A_546 : vector<256x256xi1>, vector<256x256xf32>
    %reduce_min3A_548 = arith.constant dense<0x7F800000> : vector<256xf32>
    %reduce_min3A_549 = vector.multi_reduction <minimumf>, %select_n3A_547, %reduce_min3A_548 [1] : vector<256x256xf32> to vector<256xf32>
    %broadcast_in_dim3A_550 = vector.shape_cast %reduce_min3A_549 : vector<256xf32> to vector<256x1xf32>
    %eq3A_551 = vector.broadcast %broadcast_in_dim3A_550 : vector<256x1xf32> to vector<256x256xf32>
    %eq3A_552 = arith.cmpf oeq, %convert_element_type3A_252, %eq3A_551 : vector<256x256xf32>
    %jit3A_553 = arith.constant 1.000000e+00 : f32
    %broadcast_in_dim3A_554 = vector.broadcast %jit3A_553 : f32 to vector<256x256xf32>
    %select_n3A_555 = arith.select %eq3A_552, %broadcast_in_dim3A_554, %select_n3A_536 : vector<256x256xi1>, vector<256x256xf32>
    %transpose3A_556 = tpu.transpose %select_n3A_555, [1, 0] : vector<256x256xf32> -> vector<256x256xf32>
    %max3A = arith.maximumf %select_n3A_555, %transpose3A_556 : vector<256x256xf32>
    %iota3A_557 = tpu.iota {dimensions = array<i32: 0>} : vector<256x256xi32>
    %convert_element_type3A_558 = arith.sitofp %iota3A_557 : vector<256x256xi32> to vector<256x256xf32>
    %eq3A_559 = arith.cmpf oeq, %convert_element_type3A_252, %convert_element_type3A_558 : vector<256x256xf32>
    %jit3A_560 = arith.constant 1.000000e+00 : f32
    %broadcast_in_dim3A_561 = vector.broadcast %jit3A_560 : f32 to vector<256x256xf32>
    %select_n3A_562 = arith.select %eq3A_559, %broadcast_in_dim3A_561, %max3A : vector<256x256xi1>, vector<256x256xf32>
    %swap3A_563 = arith.constant 0 : index
    %swap3A_564 = arith.constant 0 : index
    %swap3A_565 = arith.constant 0 : index
    %swap3A_566 = vector.load %arg7[%swap3A_563, %swap3A_564, %swap3A_565] : memref<1x256x256xf32, #tpu.memory_space<vmem>>, vector<1x256x256xf32>
    %swap3A_567 = vector.shape_cast %swap3A_566 : vector<1x256x256xf32> to vector<256x256xf32>
    %swap3A_568 = vector.shape_cast %select_n3A_562 : vector<256x256xf32> to vector<1x256x256xf32>
    tpu.vector_store %arg7[%swap3A_563, %swap3A_564, %swap3A_565], %swap3A_568 {strides = array<i32>} : memref<1x256x256xf32, #tpu.memory_space<vmem>>, vector<1x256x256xf32>,
    return
  }
  func.func @transform_0(%arg0: i32) -> (i32, i32, i32) {
    %c0_i32 = arith.constant 0 : i32
    %c0_i32_0 = arith.constant 0 : i32
    %c0_i32_1 = arith.constant 0 : i32
    return %arg0, %c0_i32, %c0_i32_0 : i32, i32, i32
  }
  func.func @transform_1(%arg0: i32) -> (i32, i32, i32) {
    %c0_i32 = arith.constant 0 : i32
    %c0_i32_0 = arith.constant 0 : i32
    %c0_i32_1 = arith.constant 0 : i32
    return %arg0, %c0_i32, %c0_i32_0 : i32, i32, i32
  }
  func.func @transform_2(%arg0: i32) -> (i32, i32, i32) {
    %c0_i32 = arith.constant 0 : i32
    %c0_i32_0 = arith.constant 0 : i32
    %c0_i32_1 = arith.constant 0 : i32
    return %arg0, %c0_i32, %c0_i32_0 : i32, i32, i32
  }
  func.func @transform_3(%arg0: i32) -> (i32, i32) {
    %c0_i32 = arith.constant 0 : i32
    %c0_i32_0 = arith.constant 0 : i32
    %c0_i32_1 = arith.constant 0 : i32
    return %c0_i32, %c0_i32_0 : i32, i32
  }
  func.func @transform_4(%arg0: i32) -> (i32, i32) {
    %c0_i32 = arith.constant 0 : i32
    %c0_i32_0 = arith.constant 0 : i32
    %c0_i32_1 = arith.constant 0 : i32
    return %c0_i32, %c0_i32_0 : i32, i32
  }
  func.func @transform_5(%arg0: i32) -> (i32, i32, i32) {
    %c0_i32 = arith.constant 0 : i32
    %c0_i32_0 = arith.constant 0 : i32
    %c0_i32_1 = arith.constant 0 : i32
    return %arg0, %c0_i32, %c0_i32_0 : i32, i32, i32
  }
  func.func @transform_6(%arg0: i32) -> (i32, i32, i32) {
    %c0_i32 = arith.constant 0 : i32
    %c0_i32_0 = arith.constant 0 : i32
    %c0_i32_1 = arith.constant 0 : i32
    return %arg0, %c0_i32, %c0_i32_0 : i32, i32, i32
  }
  func.func @transform_7(%arg0: i32) -> (i32, i32, i32) {
    %c0_i32 = arith.constant 0 : i32
    %c0_i32_0 = arith.constant 0 : i32
    %c0_i32_1 = arith.constant 0 : i32
    return %arg0, %c0_i32, %c0_i32_0 : i32, i32, i32
  }
  func.func @transform_8(%arg0: i32) -> (i32, i32, i32) {
    %c0_i32 = arith.constant 0 : i32
    %c0_i32_0 = arith.constant 0 : i32
    %c0_i32_1 = arith.constant 0 : i32
    return %arg0, %c0_i32, %c0_i32_0 : i32, i32, i32
  }
  func.func @transform_9(%arg0: i32) -> (i32, i32, i32) {
    %c0_i32 = arith.constant 0 : i32
    %c0_i32_0 = arith.constant 0 : i32
    %c0_i32_1 = arith.constant 0 : i32
    return %arg0, %c0_i32, %c0_i32_0 : i32, i32, i32
  }
}

module attributes {stable_mosaic.version = 14 : i64} {
  func.func @_kernel_b(%arg0: i32, %arg1: memref<1x4096x128xf32, #tpu.memory_space<vmem>>, %arg2: memref<1x256x128xf32, #tpu.memory_space<vmem>>, %arg3: memref<1x256x256xf32, #tpu.memory_space<vmem>>, %arg4: memref<1x256x16xf32, #tpu.memory_space<vmem>>, %arg5: memref<1x128xf32, #tpu.memory_space<vmem>>, %arg6: memref<1x128xf32, #tpu.memory_space<vmem>>, %arg7: memref<128x128xf32, #tpu.memory_space<vmem>>, %arg8: memref<1x128xf32, #tpu.memory_space<vmem>>, %arg9: memref<1x128xf32, #tpu.memory_space<vmem>>, %arg10: memref<128x128xf32, #tpu.memory_space<vmem>>, %arg11: memref<1x128xf32, #tpu.memory_space<vmem>>, %arg12: memref<1x128xf32, #tpu.memory_space<vmem>>, %arg13: memref<128x128xf32, #tpu.memory_space<vmem>>, %arg14: memref<1x128xf32, #tpu.memory_space<vmem>>, %arg15: memref<1x128xf32, #tpu.memory_space<vmem>>, %arg16: memref<1x128xf32, #tpu.memory_space<vmem>>, %arg17: memref<128x128xf32, #tpu.memory_space<vmem>>, %arg18: memref<1x128xf32, #tpu.memory_space<vmem>>, %arg19: memref<1x128xf32, #tpu.memory_space<vmem>>, %arg20: memref<1x128xf32, #tpu.memory_space<vmem>>, %arg21: memref<128x512xf32, #tpu.memory_space<vmem>>, %arg22: memref<512x4xf32, #tpu.memory_space<vmem>>, %arg23: memref<512x4xf32, #tpu.memory_space<vmem>>, %arg24: memref<512x128xf32, #tpu.memory_space<vmem>>, %arg25: memref<128x1xf32, #tpu.memory_space<vmem>>, %arg26: memref<128x1xf32, #tpu.memory_space<vmem>>, %arg27: memref<128x128xf32, #tpu.memory_space<vmem>>, %arg28: memref<1x128xf32, #tpu.memory_space<vmem>>, %arg29: memref<1x256x128xf32, #tpu.memory_space<vmem>>, %arg30: memref<1x256x8xf32, #tpu.memory_space<vmem>>) attributes {dimension_semantics = [#tpu.dimension_semantics<arbitrary>], iteration_bounds = array<i64: 8>, scalar_prefetch = 0 : i64, scratch_operands = 0 : i64, tpu.core_type = #tpu.core_type<tc>, window_params = [{transform_indices = @transform_0, window_bounds = array<i64: 1, 4096, 128>}, {transform_indices = @transform_1, window_bounds = array<i64: 1, 256, 128>}, {transform_indices = @transform_2, window_bounds = array<i64: 1, 256, 256>}, {transform_indices = @transform_3, window_bounds = array<i64: 1, 256, 16>}, {pipeline_mode = #tpu.pipeline_mode<synchronous>, transform_indices = @transform_4, window_bounds = array<i64: 1, 128>}, {pipeline_mode = #tpu.pipeline_mode<synchronous>, transform_indices = @transform_5, window_bounds = array<i64: 1, 128>}, {pipeline_mode = #tpu.pipeline_mode<synchronous>, transform_indices = @transform_6, window_bounds = array<i64: 128, 128>}, {pipeline_mode = #tpu.pipeline_mode<synchronous>, transform_indices = @transform_7, window_bounds = array<i64: 1, 128>}, {pipeline_mode = #tpu.pipeline_mode<synchronous>, transform_indices = @transform_8, window_bounds = array<i64: 1, 128>}, {pipeline_mode = #tpu.pipeline_mode<synchronous>, transform_indices = @transform_9, window_bounds = array<i64: 128, 128>}, {pipeline_mode = #tpu.pipeline_mode<synchronous>, transform_indices = @transform_10, window_bounds = array<i64: 1, 128>}, {pipeline_mode = #tpu.pipeline_mode<synchronous>, transform_indices = @transform_11, window_bounds = array<i64: 1, 128>}, {pipeline_mode = #tpu.pipeline_mode<synchronous>, transform_indices = @transform_12, window_bounds = array<i64: 128, 128>}, {pipeline_mode = #tpu.pipeline_mode<synchronous>, transform_indices = @transform_13, window_bounds = array<i64: 1, 128>}, {pipeline_mode = #tpu.pipeline_mode<synchronous>, transform_indices = @transform_14, window_bounds = array<i64: 1, 128>}, {pipeline_mode = #tpu.pipeline_mode<synchronous>, transform_indices = @transform_15, window_bounds = array<i64: 1, 128>}, {pipeline_mode = #tpu.pipeline_mode<synchronous>, transform_indices = @transform_16, window_bounds = array<i64: 128, 128>}, {pipeline_mode = #tpu.pipeline_mode<synchronous>, transform_indices = @transform_17, window_bounds = array<i64: 1, 128>}, {pipeline_mode = #tpu.pipeline_mode<synchronous>, transform_indices = @transform_18, window_bounds = array<i64: 1, 128>}, {pipeline_mode = #tpu.pipeline_mode<synchronous>, transform_indices = @transform_19, window_bounds = array<i64: 1, 128>}, {pipeline_mode = #tpu.pipeline_mode<synchronous>, transform_indices = @transform_20, window_bounds = array<i64: 128, 512>}, {pipeline_mode = #tpu.pipeline_mode<synchronous>, transform_indices = @transform_21, window_bounds = array<i64: 512, 4>}, {pipeline_mode = #tpu.pipeline_mode<synchronous>, transform_indices = @transform_22, window_bounds = array<i64: 512, 4>}, {pipeline_mode = #tpu.pipeline_mode<synchronous>, transform_indices = @transform_23, window_bounds = array<i64: 512, 128>}, {pipeline_mode = #tpu.pipeline_mode<synchronous>, transform_indices = @transform_24, window_bounds = array<i64: 128, 1>}, {pipeline_mode = #tpu.pipeline_mode<synchronous>, transform_indices = @transform_25, window_bounds = array<i64: 128, 1>}, {pipeline_mode = #tpu.pipeline_mode<synchronous>, transform_indices = @transform_26, window_bounds = array<i64: 128, 128>}, {pipeline_mode = #tpu.pipeline_mode<synchronous>, transform_indices = @transform_27, window_bounds = array<i64: 1, 128>}, {transform_indices = @transform_28, window_bounds = array<i64: 1, 256, 128>}, {transform_indices = @transform_29, window_bounds = array<i64: 1, 256, 8>}]} {
    %get3A = arith.constant 0 : index
    %get3A_0 = arith.constant 0 : index
    %get3A_1 = arith.constant 0 : index
    %get3A_2 = vector.load %arg1[%get3A, %get3A_0, %get3A_1] : memref<1x4096x128xf32, #tpu.memory_space<vmem>>, vector<1x4096x128xf32>
    %get3A_3 = vector.shape_cast %get3A_2 : vector<1x4096x128xf32> to vector<4096x128xf32>
    %reshape3A = vector.shape_cast %get3A_3 : vector<4096x128xf32> to vector<256x16x128xf32>
    %get3A_4 = arith.constant 0 : index
    %get3A_5 = arith.constant 0 : index
    %get3A_6 = arith.constant 0 : index
    %get3A_7 = vector.load %arg2[%get3A_4, %get3A_5, %get3A_6] : memref<1x256x128xf32, #tpu.memory_space<vmem>>, vector<1x256x128xf32>
    %get3A_8 = vector.shape_cast %get3A_7 : vector<1x256x128xf32> to vector<256x128xf32>
    %reshape3A_9 = vector.shape_cast %get3A_8 : vector<256x128xf32> to vector<256x1x128xf32>
    %sub3A = vector.broadcast %reshape3A_9 : vector<256x1x128xf32> to vector<256x16x128xf32>
    %sub3A_10 = arith.subf %reshape3A, %sub3A : vector<256x16x128xf32>
    %get3A_11 = arith.constant 0 : index
    %get3A_12 = arith.constant 0 : index
    %get3A_13 = vector.load %arg5[%get3A_11, %get3A_12] : memref<1x128xf32, #tpu.memory_space<vmem>>, vector<1x128xf32>
    %mul3A = arith.constant 0.999994993 : f32
    %mul3A_14 = vector.broadcast %mul3A : f32 to vector<1x128xf32>
    %mul3A_15 = arith.mulf %get3A_13, %mul3A_14 : vector<1x128xf32>
    %broadcast_in_dim3A = vector.shape_cast %mul3A_15 : vector<1x128xf32> to vector<1x1x128xf32>
    %mul3A_16 = vector.broadcast %broadcast_in_dim3A : vector<1x1x128xf32> to vector<256x16x128xf32>
    %mul3A_17 = arith.mulf %mul3A_16, %sub3A_10 : vector<256x16x128xf32>
    %get3A_18 = arith.constant 0 : index
    %get3A_19 = arith.constant 0 : index
    %get3A_20 = vector.load %arg6[%get3A_18, %get3A_19] : memref<1x128xf32, #tpu.memory_space<vmem>>, vector<1x128xf32>
    %broadcast_in_dim3A_21 = vector.shape_cast %get3A_20 : vector<1x128xf32> to vector<1x1x128xf32>
    %add3A = vector.broadcast %broadcast_in_dim3A_21 : vector<1x1x128xf32> to vector<256x16x128xf32>
    %add3A_22 = arith.addf %mul3A_17, %add3A : vector<256x16x128xf32>
    %max3A = arith.constant 0.000000e+00 : f32
    %max3A_23 = vector.broadcast %max3A : f32 to vector<256x16x128xf32>
    %max3A_24 = arith.maximumf %add3A_22, %max3A_23 : vector<256x16x128xf32>
    %reshape3A_25 = vector.shape_cast %max3A_24 : vector<256x16x128xf32> to vector<4096x128xf32>
    %get3A_26 = arith.constant 0 : index
    %get3A_27 = arith.constant 0 : index
    %get3A_28 = vector.load %arg7[%get3A_26, %get3A_27] : memref<128x128xf32, #tpu.memory_space<vmem>>, vector<128x128xf32>
    %convert_element_type3A = arith.truncf %reshape3A_25 : vector<4096x128xf32> to vector<4096x128xbf16>
    %convert_element_type3A_29 = arith.truncf %get3A_28 : vector<128x128xf32> to vector<128x128xbf16>
    %dot_general3A = arith.constant dense<0.000000e+00> : vector<4096x128xf32>
    %dot_general3A_30 = tpu.matmul %convert_element_type3A, %convert_element_type3A_29, %dot_general3A {dimension_numbers = #tpu.dot_dimension_numbers<[1], [0], [0], [1], [0, 0, 1, 1], [], []>, transpose_lhs_hint = false} : vector<4096x128xbf16>, vector<128x128xbf16>, vector<4096x128xf32> -> vector<4096x128xf32>
    %get3A_31 = arith.constant 0 : index
    %get3A_32 = arith.constant 0 : index
    %get3A_33 = vector.load %arg8[%get3A_31, %get3A_32] : memref<1x128xf32, #tpu.memory_space<vmem>>, vector<1x128xf32>
    %mul3A_34 = arith.constant 0.999994993 : f32
    %mul3A_35 = vector.broadcast %mul3A_34 : f32 to vector<1x128xf32>
    %mul3A_36 = arith.mulf %get3A_33, %mul3A_35 : vector<1x128xf32>
    %mul3A_37 = vector.broadcast %mul3A_36 : vector<1x128xf32> to vector<4096x128xf32>
    %mul3A_38 = arith.mulf %mul3A_37, %dot_general3A_30 : vector<4096x128xf32>
    %get3A_39 = arith.constant 0 : index
    %get3A_40 = arith.constant 0 : index
    %get3A_41 = vector.load %arg9[%get3A_39, %get3A_40] : memref<1x128xf32, #tpu.memory_space<vmem>>, vector<1x128xf32>
    %add3A_42 = vector.broadcast %get3A_41 : vector<1x128xf32> to vector<4096x128xf32>
    %add3A_43 = arith.addf %mul3A_38, %add3A_42 : vector<4096x128xf32>
    %max3A_44 = arith.constant 0.000000e+00 : f32
    %max3A_45 = vector.broadcast %max3A_44 : f32 to vector<4096x128xf32>
    %max3A_46 = arith.maximumf %add3A_43, %max3A_45 : vector<4096x128xf32>
    %get3A_47 = arith.constant 0 : index
    %get3A_48 = arith.constant 0 : index
    %get3A_49 = vector.load %arg10[%get3A_47, %get3A_48] : memref<128x128xf32, #tpu.memory_space<vmem>>, vector<128x128xf32>
    %convert_element_type3A_50 = arith.truncf %max3A_46 : vector<4096x128xf32> to vector<4096x128xbf16>
    %convert_element_type3A_51 = arith.truncf %get3A_49 : vector<128x128xf32> to vector<128x128xbf16>
    %dot_general3A_52 = arith.constant dense<0.000000e+00> : vector<4096x128xf32>
    %dot_general3A_53 = tpu.matmul %convert_element_type3A_50, %convert_element_type3A_51, %dot_general3A_52 {dimension_numbers = #tpu.dot_dimension_numbers<[1], [0], [0], [1], [0, 0, 1, 1], [], []>, transpose_lhs_hint = false} : vector<4096x128xbf16>, vector<128x128xbf16>, vector<4096x128xf32> -> vector<4096x128xf32>
    %get3A_54 = arith.constant 0 : index
    %get3A_55 = arith.constant 0 : index
    %get3A_56 = vector.load %arg11[%get3A_54, %get3A_55] : memref<1x128xf32, #tpu.memory_space<vmem>>, vector<1x128xf32>
    %mul3A_57 = arith.constant 0.999994993 : f32
    %mul3A_58 = vector.broadcast %mul3A_57 : f32 to vector<1x128xf32>
    %mul3A_59 = arith.mulf %get3A_56, %mul3A_58 : vector<1x128xf32>
    %mul3A_60 = vector.broadcast %mul3A_59 : vector<1x128xf32> to vector<4096x128xf32>
    %mul3A_61 = arith.mulf %mul3A_60, %dot_general3A_53 : vector<4096x128xf32>
    %get3A_62 = arith.constant 0 : index
    %get3A_63 = arith.constant 0 : index
    %get3A_64 = vector.load %arg12[%get3A_62, %get3A_63] : memref<1x128xf32, #tpu.memory_space<vmem>>, vector<1x128xf32>
    %add3A_65 = vector.broadcast %get3A_64 : vector<1x128xf32> to vector<4096x128xf32>
    %add3A_66 = arith.addf %mul3A_61, %add3A_65 : vector<4096x128xf32>
    %max3A_67 = arith.constant 0.000000e+00 : f32
    %max3A_68 = vector.broadcast %max3A_67 : f32 to vector<4096x128xf32>
    %max3A_69 = arith.maximumf %add3A_66, %max3A_68 : vector<4096x128xf32>
    %reshape3A_70 = vector.shape_cast %max3A_69 : vector<4096x128xf32> to vector<256x16x128xf32>
    %reduce_max3A = arith.constant dense<0xFF800000> : vector<256x128xf32>
    %reduce_max3A_71 = vector.multi_reduction <maximumf>, %reshape3A_70, %reduce_max3A [1] : vector<256x16x128xf32> to vector<256x128xf32>
    %get3A_72 = arith.constant 0 : index
    %get3A_73 = arith.constant 0 : index
    %get3A_74 = vector.load %arg13[%get3A_72, %get3A_73] : memref<128x128xf32, #tpu.memory_space<vmem>>, vector<128x128xf32>
    %dot_general3A_75 = arith.constant dense<0.000000e+00> : vector<256x128xf32>
    %dot_general3A_76 = tpu.matmul %reduce_max3A_71, %get3A_74, %dot_general3A_75 {dimension_numbers = #tpu.dot_dimension_numbers<[1], [0], [0], [1], [0, 0, 1, 1], [], []>, precision = #tpu.contract_precision<fp32>, transpose_lhs_hint = false} : vector<256x128xf32>, vector<128x128xf32>, vector<256x128xf32> -> vector<256x128xf32>
    %get3A_77 = arith.constant 0 : index
    %get3A_78 = arith.constant 0 : index
    %get3A_79 = vector.load %arg14[%get3A_77, %get3A_78] : memref<1x128xf32, #tpu.memory_space<vmem>>, vector<1x128xf32>
    %add3A_80 = vector.broadcast %get3A_79 : vector<1x128xf32> to vector<256x128xf32>
    %add3A_81 = arith.addf %dot_general3A_76, %add3A_80 : vector<256x128xf32>
    %get3A_82 = arith.constant 0 : index
    %get3A_83 = arith.constant 0 : index
    %get3A_84 = vector.load %arg15[%get3A_82, %get3A_83] : memref<1x128xf32, #tpu.memory_space<vmem>>, vector<1x128xf32>
    %mul3A_85 = vector.broadcast %get3A_84 : vector<1x128xf32> to vector<256x128xf32>
    %mul3A_86 = arith.mulf %mul3A_85, %add3A_81 : vector<256x128xf32>
    %mul3A_87 = arith.constant 0.999994993 : f32
    %mul3A_88 = vector.broadcast %mul3A_87 : f32 to vector<256x128xf32>
    %mul3A_89 = arith.mulf %mul3A_86, %mul3A_88 : vector<256x128xf32>
    %get3A_90 = arith.constant 0 : index
    %get3A_91 = arith.constant 0 : index
    %get3A_92 = vector.load %arg16[%get3A_90, %get3A_91] : memref<1x128xf32, #tpu.memory_space<vmem>>, vector<1x128xf32>
    %add3A_93 = vector.broadcast %get3A_92 : vector<1x128xf32> to vector<256x128xf32>
    %add3A_94 = arith.addf %mul3A_89, %add3A_93 : vector<256x128xf32>
    %max3A_95 = arith.constant 0.000000e+00 : f32
    %max3A_96 = vector.broadcast %max3A_95 : f32 to vector<256x128xf32>
    %max3A_97 = arith.maximumf %add3A_94, %max3A_96 : vector<256x128xf32>
    %get3A_98 = arith.constant 0 : index
    %get3A_99 = arith.constant 0 : index
    %get3A_100 = vector.load %arg17[%get3A_98, %get3A_99] : memref<128x128xf32, #tpu.memory_space<vmem>>, vector<128x128xf32>
    %dot_general3A_101 = arith.constant dense<0.000000e+00> : vector<256x128xf32>
    %dot_general3A_102 = tpu.matmul %max3A_97, %get3A_100, %dot_general3A_101 {dimension_numbers = #tpu.dot_dimension_numbers<[1], [0], [0], [1], [0, 0, 1, 1], [], []>, precision = #tpu.contract_precision<fp32>, transpose_lhs_hint = false} : vector<256x128xf32>, vector<128x128xf32>, vector<256x128xf32> -> vector<256x128xf32>
    %get3A_103 = arith.constant 0 : index
    %get3A_104 = arith.constant 0 : index
    %get3A_105 = vector.load %arg18[%get3A_103, %get3A_104] : memref<1x128xf32, #tpu.memory_space<vmem>>, vector<1x128xf32>
    %add3A_106 = vector.broadcast %get3A_105 : vector<1x128xf32> to vector<256x128xf32>
    %add3A_107 = arith.addf %dot_general3A_102, %add3A_106 : vector<256x128xf32>
    %get3A_108 = arith.constant 0 : index
    %get3A_109 = arith.constant 0 : index
    %get3A_110 = vector.load %arg19[%get3A_108, %get3A_109] : memref<1x128xf32, #tpu.memory_space<vmem>>, vector<1x128xf32>
    %mul3A_111 = vector.broadcast %get3A_110 : vector<1x128xf32> to vector<256x128xf32>
    %mul3A_112 = arith.mulf %mul3A_111, %add3A_107 : vector<256x128xf32>
    %mul3A_113 = arith.constant 0.999994993 : f32
    %mul3A_114 = vector.broadcast %mul3A_113 : f32 to vector<256x128xf32>
    %mul3A_115 = arith.mulf %mul3A_112, %mul3A_114 : vector<256x128xf32>
    %get3A_116 = arith.constant 0 : index
    %get3A_117 = arith.constant 0 : index
    %get3A_118 = vector.load %arg20[%get3A_116, %get3A_117] : memref<1x128xf32, #tpu.memory_space<vmem>>, vector<1x128xf32>
    %add3A_119 = vector.broadcast %get3A_118 : vector<1x128xf32> to vector<256x128xf32>
    %add3A_120 = arith.addf %mul3A_115, %add3A_119 : vector<256x128xf32>
    %max3A_121 = arith.constant 0.000000e+00 : f32
    %max3A_122 = vector.broadcast %max3A_121 : f32 to vector<256x128xf32>
    %max3A_123 = arith.maximumf %add3A_120, %max3A_122 : vector<256x128xf32>
    %get3A_124 = arith.constant 0 : index
    %get3A_125 = arith.constant 0 : index
    %get3A_126 = arith.constant 0 : index
    %get3A_127 = vector.load %arg3[%get3A_124, %get3A_125, %get3A_126] : memref<1x256x256xf32, #tpu.memory_space<vmem>>, vector<1x256x256xf32>
    %get3A_128 = vector.shape_cast %get3A_127 : vector<1x256x256xf32> to vector<256x256xf32>
    %get3A_129 = arith.constant 0 : index
    %get3A_130 = arith.constant 0 : index
    %get3A_131 = vector.load %arg21[%get3A_129, %get3A_130] : memref<128x512xf32, #tpu.memory_space<vmem>>, vector<128x512xf32>
    %dot_general3A_132 = arith.constant dense<0.000000e+00> : vector<256x512xf32>
    %dot_general3A_133 = tpu.matmul %max3A_123, %get3A_131, %dot_general3A_132 {dimension_numbers = #tpu.dot_dimension_numbers<[1], [0], [0], [1], [0, 0, 1, 1], [], []>, precision = #tpu.contract_precision<fp32>, transpose_lhs_hint = false} : vector<256x128xf32>, vector<128x512xf32>, vector<256x512xf32> -> vector<256x512xf32>
    %get3A_134 = arith.constant 0 : index
    %get3A_135 = arith.constant 0 : index
    %get3A_136 = vector.load %arg22[%get3A_134, %get3A_135] : memref<512x4xf32, #tpu.memory_space<vmem>>, vector<512x4xf32>
    %dot_general3A_137 = arith.constant dense<0.000000e+00> : vector<256x4xf32>
    %dot_general3A_138 = tpu.matmul %dot_general3A_133, %get3A_136, %dot_general3A_137 {dimension_numbers = #tpu.dot_dimension_numbers<[1], [0], [0], [1], [0, 0, 1, 1], [], []>, precision = #tpu.contract_precision<fp32>, transpose_lhs_hint = false} : vector<256x512xf32>, vector<512x4xf32>, vector<256x4xf32> -> vector<256x4xf32>
    %get3A_139 = arith.constant 0 : index
    %get3A_140 = arith.constant 0 : index
    %get3A_141 = vector.load %arg23[%get3A_139, %get3A_140] : memref<512x4xf32, #tpu.memory_space<vmem>>, vector<512x4xf32>
    %dot_general3A_142 = arith.constant dense<0.000000e+00> : vector<256x4xf32>
    %dot_general3A_143 = tpu.matmul %dot_general3A_133, %get3A_141, %dot_general3A_142 {dimension_numbers = #tpu.dot_dimension_numbers<[1], [0], [0], [1], [0, 0, 1, 1], [], []>, precision = #tpu.contract_precision<fp32>, transpose_lhs_hint = false} : vector<256x512xf32>, vector<512x4xf32>, vector<256x4xf32> -> vector<256x4xf32>
    %transpose3A = tpu.transpose %dot_general3A_143, [1, 0] : vector<256x4xf32> -> vector<4x256xf32>
    %slice3A = vector.extract_strided_slice %dot_general3A_133 {offsets = [0, 0], sizes = [256, 128], strides = [1, 1]} : vector<256x512xf32> to vector<256x128xf32>
    %slice3A_144 = vector.extract_strided_slice %dot_general3A_138 {offsets = [0, 0], sizes = [256, 1], strides = [1, 1]} : vector<256x4xf32> to vector<256x1xf32>
    %slice3A_145 = vector.extract_strided_slice %transpose3A {offsets = [0, 0], sizes = [1, 256], strides = [1, 1]} : vector<4x256xf32> to vector<1x256xf32>
    %add3A_146 = vector.broadcast %slice3A_144 : vector<256x1xf32> to vector<256x256xf32>
    %add3A_147 = vector.broadcast %slice3A_145 : vector<1x256xf32> to vector<256x256xf32>
    %add3A_148 = arith.addf %add3A_146, %add3A_147 : vector<256x256xf32>
    %gt3A = arith.constant 0.000000e+00 : f32
    %gt3A_149 = vector.broadcast %gt3A : f32 to vector<256x256xf32>
    %gt3A_150 = arith.cmpf ogt, %add3A_148, %gt3A_149 : vector<256x256xf32>
    %mul3A_151 = arith.constant 2.000000e-01 : f32
    %mul3A_152 = vector.broadcast %mul3A_151 : f32 to vector<256x256xf32>
    %mul3A_153 = arith.mulf %mul3A_152, %add3A_148 : vector<256x256xf32>
    %select_n3A = arith.select %gt3A_150, %add3A_148, %mul3A_153 : vector<256x256xi1>, vector<256x256xf32>
    %gt3A_154 = arith.constant 0.000000e+00 : f32
    %gt3A_155 = vector.broadcast %gt3A_154 : f32 to vector<256x256xf32>
    %gt3A_156 = arith.cmpf ogt, %get3A_128, %gt3A_155 : vector<256x256xf32>
    %jit3A = arith.constant -9.000000e+15 : f32
    %broadcast_in_dim3A_157 = vector.broadcast %jit3A : f32 to vector<256x256xf32>
    %select_n3A_158 = arith.select %gt3A_156, %select_n3A, %broadcast_in_dim3A_157 : vector<256x256xi1>, vector<256x256xf32>
    %reduce_max3A_159 = arith.constant dense<0xFF800000> : vector<256xf32>
    %reduce_max3A_160 = vector.multi_reduction <maximumf>, %select_n3A_158, %reduce_max3A_159 [1] : vector<256x256xf32> to vector<256xf32>
    %broadcast_in_dim3A_161 = vector.shape_cast %reduce_max3A_160 : vector<256xf32> to vector<256x1xf32>
    %sub3A_162 = vector.broadcast %broadcast_in_dim3A_161 : vector<256x1xf32> to vector<256x256xf32>
    %sub3A_163 = arith.subf %select_n3A_158, %sub3A_162 : vector<256x256xf32>
    %exp3A = math.exp %sub3A_163 : vector<256x256xf32>
    %reduce_sum3A = arith.constant dense<0.000000e+00> : vector<256xf32>
    %reduce_sum3A_164 = vector.multi_reduction <add>, %exp3A, %reduce_sum3A [1] : vector<256x256xf32> to vector<256xf32>
    %broadcast_in_dim3A_165 = vector.shape_cast %reduce_sum3A_164 : vector<256xf32> to vector<256x1xf32>
    %div3A = vector.broadcast %broadcast_in_dim3A_165 : vector<256x1xf32> to vector<256x256xf32>
    %div3A_166 = arith.divf %exp3A, %div3A : vector<256x256xf32>
    %convert_element_type3A_167 = arith.truncf %div3A_166 : vector<256x256xf32> to vector<256x256xbf16>
    %convert_element_type3A_168 = arith.truncf %slice3A : vector<256x128xf32> to vector<256x128xbf16>
    %dot_general3A_169 = arith.constant dense<0.000000e+00> : vector<256x128xf32>
    %dot_general3A_170 = tpu.matmul %convert_element_type3A_167, %convert_element_type3A_168, %dot_general3A_169 {dimension_numbers = #tpu.dot_dimension_numbers<[1], [0], [0], [1], [0, 0, 1, 1], [], []>, transpose_lhs_hint = false} : vector<256x256xbf16>, vector<256x128xbf16>, vector<256x128xf32> -> vector<256x128xf32>
    %gt3A_171 = arith.constant 0.000000e+00 : f32
    %gt3A_172 = vector.broadcast %gt3A_171 : f32 to vector<256x128xf32>
    %gt3A_173 = arith.cmpf ogt, %dot_general3A_170, %gt3A_172 : vector<256x128xf32>
    %exp3A_174 = math.exp %dot_general3A_170 : vector<256x128xf32>
    %sub3A_175 = arith.constant 1.000000e+00 : f32
    %sub3A_176 = vector.broadcast %sub3A_175 : f32 to vector<256x128xf32>
    %sub3A_177 = arith.subf %exp3A_174, %sub3A_176 : vector<256x128xf32>
    %select_n3A_178 = arith.select %gt3A_173, %dot_general3A_170, %sub3A_177 : vector<256x128xi1>, vector<256x128xf32>
    %slice3A_179 = vector.extract_strided_slice %dot_general3A_133 {offsets = [0, 128], sizes = [256, 128], strides = [1, 1]} : vector<256x512xf32> to vector<256x128xf32>
    %slice3A_180 = vector.extract_strided_slice %dot_general3A_138 {offsets = [0, 1], sizes = [256, 1], strides = [1, 1]} : vector<256x4xf32> to vector<256x1xf32>
    %slice3A_181 = vector.extract_strided_slice %transpose3A {offsets = [1, 0], sizes = [1, 256], strides = [1, 1]} : vector<4x256xf32> to vector<1x256xf32>
    %add3A_182 = vector.broadcast %slice3A_180 : vector<256x1xf32> to vector<256x256xf32>
    %add3A_183 = vector.broadcast %slice3A_181 : vector<1x256xf32> to vector<256x256xf32>
    %add3A_184 = arith.addf %add3A_182, %add3A_183 : vector<256x256xf32>
    %gt3A_185 = arith.constant 0.000000e+00 : f32
    %gt3A_186 = vector.broadcast %gt3A_185 : f32 to vector<256x256xf32>
    %gt3A_187 = arith.cmpf ogt, %add3A_184, %gt3A_186 : vector<256x256xf32>
    %mul3A_188 = arith.constant 2.000000e-01 : f32
    %mul3A_189 = vector.broadcast %mul3A_188 : f32 to vector<256x256xf32>
    %mul3A_190 = arith.mulf %mul3A_189, %add3A_184 : vector<256x256xf32>
    %select_n3A_191 = arith.select %gt3A_187, %add3A_184, %mul3A_190 : vector<256x256xi1>, vector<256x256xf32>
    %gt3A_192 = arith.constant 0.000000e+00 : f32
    %gt3A_193 = vector.broadcast %gt3A_192 : f32 to vector<256x256xf32>
    %gt3A_194 = arith.cmpf ogt, %get3A_128, %gt3A_193 : vector<256x256xf32>
    %jit3A_195 = arith.constant -9.000000e+15 : f32
    %broadcast_in_dim3A_196 = vector.broadcast %jit3A_195 : f32 to vector<256x256xf32>
    %select_n3A_197 = arith.select %gt3A_194, %select_n3A_191, %broadcast_in_dim3A_196 : vector<256x256xi1>, vector<256x256xf32>
    %reduce_max3A_198 = arith.constant dense<0xFF800000> : vector<256xf32>
    %reduce_max3A_199 = vector.multi_reduction <maximumf>, %select_n3A_197, %reduce_max3A_198 [1] : vector<256x256xf32> to vector<256xf32>
    %broadcast_in_dim3A_200 = vector.shape_cast %reduce_max3A_199 : vector<256xf32> to vector<256x1xf32>
    %sub3A_201 = vector.broadcast %broadcast_in_dim3A_200 : vector<256x1xf32> to vector<256x256xf32>
    %sub3A_202 = arith.subf %select_n3A_197, %sub3A_201 : vector<256x256xf32>
    %exp3A_203 = math.exp %sub3A_202 : vector<256x256xf32>
    %reduce_sum3A_204 = arith.constant dense<0.000000e+00> : vector<256xf32>
    %reduce_sum3A_205 = vector.multi_reduction <add>, %exp3A_203, %reduce_sum3A_204 [1] : vector<256x256xf32> to vector<256xf32>
    %broadcast_in_dim3A_206 = vector.shape_cast %reduce_sum3A_205 : vector<256xf32> to vector<256x1xf32>
    %div3A_207 = vector.broadcast %broadcast_in_dim3A_206 : vector<256x1xf32> to vector<256x256xf32>
    %div3A_208 = arith.divf %exp3A_203, %div3A_207 : vector<256x256xf32>
    %convert_element_type3A_209 = arith.truncf %div3A_208 : vector<256x256xf32> to vector<256x256xbf16>
    %convert_element_type3A_210 = arith.truncf %slice3A_179 : vector<256x128xf32> to vector<256x128xbf16>
    %dot_general3A_211 = arith.constant dense<0.000000e+00> : vector<256x128xf32>
    %dot_general3A_212 = tpu.matmul %convert_element_type3A_209, %convert_element_type3A_210, %dot_general3A_211 {dimension_numbers = #tpu.dot_dimension_numbers<[1], [0], [0], [1], [0, 0, 1, 1], [], []>, transpose_lhs_hint = false} : vector<256x256xbf16>, vector<256x128xbf16>, vector<256x128xf32> -> vector<256x128xf32>
    %gt3A_213 = arith.constant 0.000000e+00 : f32
    %gt3A_214 = vector.broadcast %gt3A_213 : f32 to vector<256x128xf32>
    %gt3A_215 = arith.cmpf ogt, %dot_general3A_212, %gt3A_214 : vector<256x128xf32>
    %exp3A_216 = math.exp %dot_general3A_212 : vector<256x128xf32>
    %sub3A_217 = arith.constant 1.000000e+00 : f32
    %sub3A_218 = vector.broadcast %sub3A_217 : f32 to vector<256x128xf32>
    %sub3A_219 = arith.subf %exp3A_216, %sub3A_218 : vector<256x128xf32>
    %select_n3A_220 = arith.select %gt3A_215, %dot_general3A_212, %sub3A_219 : vector<256x128xi1>, vector<256x128xf32>
    %slice3A_221 = vector.extract_strided_slice %dot_general3A_133 {offsets = [0, 256], sizes = [256, 128], strides = [1, 1]} : vector<256x512xf32> to vector<256x128xf32>
    %slice3A_222 = vector.extract_strided_slice %dot_general3A_138 {offsets = [0, 2], sizes = [256, 1], strides = [1, 1]} : vector<256x4xf32> to vector<256x1xf32>
    %slice3A_223 = vector.extract_strided_slice %transpose3A {offsets = [2, 0], sizes = [1, 256], strides = [1, 1]} : vector<4x256xf32> to vector<1x256xf32>
    %add3A_224 = vector.broadcast %slice3A_222 : vector<256x1xf32> to vector<256x256xf32>
    %add3A_225 = vector.broadcast %slice3A_223 : vector<1x256xf32> to vector<256x256xf32>
    %add3A_226 = arith.addf %add3A_224, %add3A_225 : vector<256x256xf32>
    %gt3A_227 = arith.constant 0.000000e+00 : f32
    %gt3A_228 = vector.broadcast %gt3A_227 : f32 to vector<256x256xf32>
    %gt3A_229 = arith.cmpf ogt, %add3A_226, %gt3A_228 : vector<256x256xf32>
    %mul3A_230 = arith.constant 2.000000e-01 : f32
    %mul3A_231 = vector.broadcast %mul3A_230 : f32 to vector<256x256xf32>
    %mul3A_232 = arith.mulf %mul3A_231, %add3A_226 : vector<256x256xf32>
    %select_n3A_233 = arith.select %gt3A_229, %add3A_226, %mul3A_232 : vector<256x256xi1>, vector<256x256xf32>
    %gt3A_234 = arith.constant 0.000000e+00 : f32
    %gt3A_235 = vector.broadcast %gt3A_234 : f32 to vector<256x256xf32>
    %gt3A_236 = arith.cmpf ogt, %get3A_128, %gt3A_235 : vector<256x256xf32>
    %jit3A_237 = arith.constant -9.000000e+15 : f32
    %broadcast_in_dim3A_238 = vector.broadcast %jit3A_237 : f32 to vector<256x256xf32>
    %select_n3A_239 = arith.select %gt3A_236, %select_n3A_233, %broadcast_in_dim3A_238 : vector<256x256xi1>, vector<256x256xf32>
    %reduce_max3A_240 = arith.constant dense<0xFF800000> : vector<256xf32>
    %reduce_max3A_241 = vector.multi_reduction <maximumf>, %select_n3A_239, %reduce_max3A_240 [1] : vector<256x256xf32> to vector<256xf32>
    %broadcast_in_dim3A_242 = vector.shape_cast %reduce_max3A_241 : vector<256xf32> to vector<256x1xf32>
    %sub3A_243 = vector.broadcast %broadcast_in_dim3A_242 : vector<256x1xf32> to vector<256x256xf32>
    %sub3A_244 = arith.subf %select_n3A_239, %sub3A_243 : vector<256x256xf32>
    %exp3A_245 = math.exp %sub3A_244 : vector<256x256xf32>
    %reduce_sum3A_246 = arith.constant dense<0.000000e+00> : vector<256xf32>
    %reduce_sum3A_247 = vector.multi_reduction <add>, %exp3A_245, %reduce_sum3A_246 [1] : vector<256x256xf32> to vector<256xf32>
    %broadcast_in_dim3A_248 = vector.shape_cast %reduce_sum3A_247 : vector<256xf32> to vector<256x1xf32>
    %div3A_249 = vector.broadcast %broadcast_in_dim3A_248 : vector<256x1xf32> to vector<256x256xf32>
    %div3A_250 = arith.divf %exp3A_245, %div3A_249 : vector<256x256xf32>
    %convert_element_type3A_251 = arith.truncf %div3A_250 : vector<256x256xf32> to vector<256x256xbf16>
    %convert_element_type3A_252 = arith.truncf %slice3A_221 : vector<256x128xf32> to vector<256x128xbf16>
    %dot_general3A_253 = arith.constant dense<0.000000e+00> : vector<256x128xf32>
    %dot_general3A_254 = tpu.matmul %convert_element_type3A_251, %convert_element_type3A_252, %dot_general3A_253 {dimension_numbers = #tpu.dot_dimension_numbers<[1], [0], [0], [1], [0, 0, 1, 1], [], []>, transpose_lhs_hint = false} : vector<256x256xbf16>, vector<256x128xbf16>, vector<256x128xf32> -> vector<256x128xf32>
    %gt3A_255 = arith.constant 0.000000e+00 : f32
    %gt3A_256 = vector.broadcast %gt3A_255 : f32 to vector<256x128xf32>
    %gt3A_257 = arith.cmpf ogt, %dot_general3A_254, %gt3A_256 : vector<256x128xf32>
    %exp3A_258 = math.exp %dot_general3A_254 : vector<256x128xf32>
    %sub3A_259 = arith.constant 1.000000e+00 : f32
    %sub3A_260 = vector.broadcast %sub3A_259 : f32 to vector<256x128xf32>
    %sub3A_261 = arith.subf %exp3A_258, %sub3A_260 : vector<256x128xf32>
    %select_n3A_262 = arith.select %gt3A_257, %dot_general3A_254, %sub3A_261 : vector<256x128xi1>, vector<256x128xf32>
    %slice3A_263 = vector.extract_strided_slice %dot_general3A_133 {offsets = [0, 384], sizes = [256, 128], strides = [1, 1]} : vector<256x512xf32> to vector<256x128xf32>
    %slice3A_264 = vector.extract_strided_slice %dot_general3A_138 {offsets = [0, 3], sizes = [256, 1], strides = [1, 1]} : vector<256x4xf32> to vector<256x1xf32>
    %slice3A_265 = vector.extract_strided_slice %transpose3A {offsets = [3, 0], sizes = [1, 256], strides = [1, 1]} : vector<4x256xf32> to vector<1x256xf32>
    %add3A_266 = vector.broadcast %slice3A_264 : vector<256x1xf32> to vector<256x256xf32>
    %add3A_267 = vector.broadcast %slice3A_265 : vector<1x256xf32> to vector<256x256xf32>
    %add3A_268 = arith.addf %add3A_266, %add3A_267 : vector<256x256xf32>
    %gt3A_269 = arith.constant 0.000000e+00 : f32
    %gt3A_270 = vector.broadcast %gt3A_269 : f32 to vector<256x256xf32>
    %gt3A_271 = arith.cmpf ogt, %add3A_268, %gt3A_270 : vector<256x256xf32>
    %mul3A_272 = arith.constant 2.000000e-01 : f32
    %mul3A_273 = vector.broadcast %mul3A_272 : f32 to vector<256x256xf32>
    %mul3A_274 = arith.mulf %mul3A_273, %add3A_268 : vector<256x256xf32>
    %select_n3A_275 = arith.select %gt3A_271, %add3A_268, %mul3A_274 : vector<256x256xi1>, vector<256x256xf32>
    %gt3A_276 = arith.constant 0.000000e+00 : f32
    %gt3A_277 = vector.broadcast %gt3A_276 : f32 to vector<256x256xf32>
    %gt3A_278 = arith.cmpf ogt, %get3A_128, %gt3A_277 : vector<256x256xf32>
    %jit3A_279 = arith.constant -9.000000e+15 : f32
    %broadcast_in_dim3A_280 = vector.broadcast %jit3A_279 : f32 to vector<256x256xf32>
    %select_n3A_281 = arith.select %gt3A_278, %select_n3A_275, %broadcast_in_dim3A_280 : vector<256x256xi1>, vector<256x256xf32>
    %reduce_max3A_282 = arith.constant dense<0xFF800000> : vector<256xf32>
    %reduce_max3A_283 = vector.multi_reduction <maximumf>, %select_n3A_281, %reduce_max3A_282 [1] : vector<256x256xf32> to vector<256xf32>
    %broadcast_in_dim3A_284 = vector.shape_cast %reduce_max3A_283 : vector<256xf32> to vector<256x1xf32>
    %sub3A_285 = vector.broadcast %broadcast_in_dim3A_284 : vector<256x1xf32> to vector<256x256xf32>
    %sub3A_286 = arith.subf %select_n3A_281, %sub3A_285 : vector<256x256xf32>
    %exp3A_287 = math.exp %sub3A_286 : vector<256x256xf32>
    %reduce_sum3A_288 = arith.constant dense<0.000000e+00> : vector<256xf32>
    %reduce_sum3A_289 = vector.multi_reduction <add>, %exp3A_287, %reduce_sum3A_288 [1] : vector<256x256xf32> to vector<256xf32>
    %broadcast_in_dim3A_290 = vector.shape_cast %reduce_sum3A_289 : vector<256xf32> to vector<256x1xf32>
    %div3A_291 = vector.broadcast %broadcast_in_dim3A_290 : vector<256x1xf32> to vector<256x256xf32>
    %div3A_292 = arith.divf %exp3A_287, %div3A_291 : vector<256x256xf32>
    %convert_element_type3A_293 = arith.truncf %div3A_292 : vector<256x256xf32> to vector<256x256xbf16>
    %convert_element_type3A_294 = arith.truncf %slice3A_263 : vector<256x128xf32> to vector<256x128xbf16>
    %dot_general3A_295 = arith.constant dense<0.000000e+00> : vector<256x128xf32>
    %dot_general3A_296 = tpu.matmul %convert_element_type3A_293, %convert_element_type3A_294, %dot_general3A_295 {dimension_numbers = #tpu.dot_dimension_numbers<[1], [0], [0], [1], [0, 0, 1, 1], [], []>, transpose_lhs_hint = false} : vector<256x256xbf16>, vector<256x128xbf16>, vector<256x128xf32> -> vector<256x128xf32>
    %gt3A_297 = arith.constant 0.000000e+00 : f32
    %gt3A_298 = vector.broadcast %gt3A_297 : f32 to vector<256x128xf32>
    %gt3A_299 = arith.cmpf ogt, %dot_general3A_296, %gt3A_298 : vector<256x128xf32>
    %exp3A_300 = math.exp %dot_general3A_296 : vector<256x128xf32>
    %sub3A_301 = arith.constant 1.000000e+00 : f32
    %sub3A_302 = vector.broadcast %sub3A_301 : f32 to vector<256x128xf32>
    %sub3A_303 = arith.subf %exp3A_300, %sub3A_302 : vector<256x128xf32>
    %select_n3A_304 = arith.select %gt3A_299, %dot_general3A_296, %sub3A_303 : vector<256x128xi1>, vector<256x128xf32>
    %concatenate3A = tpu.concatenate %select_n3A_178, %select_n3A_220, %select_n3A_262, %select_n3A_304 in 1 : vector<256x128xf32>, vector<256x128xf32>, vector<256x128xf32>, vector<256x128xf32> -> vector<256x512xf32>
    %get3A_305 = arith.constant 0 : index
    %get3A_306 = arith.constant 0 : index
    %get3A_307 = vector.load %arg24[%get3A_305, %get3A_306] : memref<512x128xf32, #tpu.memory_space<vmem>>, vector<512x128xf32>
    %dot_general3A_308 = arith.constant dense<0.000000e+00> : vector<256x128xf32>
    %dot_general3A_309 = tpu.matmul %concatenate3A, %get3A_307, %dot_general3A_308 {dimension_numbers = #tpu.dot_dimension_numbers<[1], [0], [0], [1], [0, 0, 1, 1], [], []>, precision = #tpu.contract_precision<fp32>, transpose_lhs_hint = false} : vector<256x512xf32>, vector<512x128xf32>, vector<256x128xf32> -> vector<256x128xf32>
    %get3A_310 = arith.constant 0 : index
    %get3A_311 = arith.constant 0 : index
    %get3A_312 = vector.load %arg25[%get3A_310, %get3A_311] : memref<128x1xf32, #tpu.memory_space<vmem>>, vector<128x1xf32>
    %dot_general3A_313 = arith.constant dense<0.000000e+00> : vector<256x1xf32>
    %dot_general3A_314 = tpu.matmul %dot_general3A_309, %get3A_312, %dot_general3A_313 {dimension_numbers = #tpu.dot_dimension_numbers<[1], [0], [0], [1], [0, 0, 1, 1], [], []>, precision = #tpu.contract_precision<fp32>, transpose_lhs_hint = false} : vector<256x128xf32>, vector<128x1xf32>, vector<256x1xf32> -> vector<256x1xf32>
    %get3A_315 = arith.constant 0 : index
    %get3A_316 = arith.constant 0 : index
    %get3A_317 = vector.load %arg26[%get3A_315, %get3A_316] : memref<128x1xf32, #tpu.memory_space<vmem>>, vector<128x1xf32>
    %dot_general3A_318 = arith.constant dense<0.000000e+00> : vector<256x1xf32>
    %dot_general3A_319 = tpu.matmul %dot_general3A_309, %get3A_317, %dot_general3A_318 {dimension_numbers = #tpu.dot_dimension_numbers<[1], [0], [0], [1], [0, 0, 1, 1], [], []>, precision = #tpu.contract_precision<fp32>, transpose_lhs_hint = false} : vector<256x128xf32>, vector<128x1xf32>, vector<256x1xf32> -> vector<256x1xf32>
    %transpose3A_320 = tpu.transpose %dot_general3A_319, [1, 0] : vector<256x1xf32> -> vector<1x256xf32>
    %add3A_321 = vector.broadcast %dot_general3A_314 : vector<256x1xf32> to vector<256x256xf32>
    %add3A_322 = vector.broadcast %transpose3A_320 : vector<1x256xf32> to vector<256x256xf32>
    %add3A_323 = arith.addf %add3A_321, %add3A_322 : vector<256x256xf32>
    %gt3A_324 = arith.constant 0.000000e+00 : f32
    %gt3A_325 = vector.broadcast %gt3A_324 : f32 to vector<256x256xf32>
    %gt3A_326 = arith.cmpf ogt, %add3A_323, %gt3A_325 : vector<256x256xf32>
    %mul3A_327 = arith.constant 2.000000e-01 : f32
    %mul3A_328 = vector.broadcast %mul3A_327 : f32 to vector<256x256xf32>
    %mul3A_329 = arith.mulf %mul3A_328, %add3A_323 : vector<256x256xf32>
    %select_n3A_330 = arith.select %gt3A_326, %add3A_323, %mul3A_329 : vector<256x256xi1>, vector<256x256xf32>
    %gt3A_331 = arith.constant 0.000000e+00 : f32
    %gt3A_332 = vector.broadcast %gt3A_331 : f32 to vector<256x256xf32>
    %gt3A_333 = arith.cmpf ogt, %get3A_128, %gt3A_332 : vector<256x256xf32>
    %jit3A_334 = arith.constant -9.000000e+15 : f32
    %broadcast_in_dim3A_335 = vector.broadcast %jit3A_334 : f32 to vector<256x256xf32>
    %select_n3A_336 = arith.select %gt3A_333, %select_n3A_330, %broadcast_in_dim3A_335 : vector<256x256xi1>, vector<256x256xf32>
    %reduce_max3A_337 = arith.constant dense<0xFF800000> : vector<256xf32>
    %reduce_max3A_338 = vector.multi_reduction <maximumf>, %select_n3A_336, %reduce_max3A_337 [1] : vector<256x256xf32> to vector<256xf32>
    %broadcast_in_dim3A_339 = vector.shape_cast %reduce_max3A_338 : vector<256xf32> to vector<256x1xf32>
    %sub3A_340 = vector.broadcast %broadcast_in_dim3A_339 : vector<256x1xf32> to vector<256x256xf32>
    %sub3A_341 = arith.subf %select_n3A_336, %sub3A_340 : vector<256x256xf32>
    %exp3A_342 = math.exp %sub3A_341 : vector<256x256xf32>
    %reduce_sum3A_343 = arith.constant dense<0.000000e+00> : vector<256xf32>
    %reduce_sum3A_344 = vector.multi_reduction <add>, %exp3A_342, %reduce_sum3A_343 [1] : vector<256x256xf32> to vector<256xf32>
    %broadcast_in_dim3A_345 = vector.shape_cast %reduce_sum3A_344 : vector<256xf32> to vector<256x1xf32>
    %div3A_346 = vector.broadcast %broadcast_in_dim3A_345 : vector<256x1xf32> to vector<256x256xf32>
    %div3A_347 = arith.divf %exp3A_342, %div3A_346 : vector<256x256xf32>
    %convert_element_type3A_348 = arith.truncf %div3A_347 : vector<256x256xf32> to vector<256x256xbf16>
    %convert_element_type3A_349 = arith.truncf %dot_general3A_309 : vector<256x128xf32> to vector<256x128xbf16>
    %dot_general3A_350 = arith.constant dense<0.000000e+00> : vector<256x128xf32>
    %dot_general3A_351 = tpu.matmul %convert_element_type3A_348, %convert_element_type3A_349, %dot_general3A_350 {dimension_numbers = #tpu.dot_dimension_numbers<[1], [0], [0], [1], [0, 0, 1, 1], [], []>, transpose_lhs_hint = false} : vector<256x256xbf16>, vector<256x128xbf16>, vector<256x128xf32> -> vector<256x128xf32>
    %gt3A_352 = arith.constant 0.000000e+00 : f32
    %gt3A_353 = vector.broadcast %gt3A_352 : f32 to vector<256x128xf32>
    %gt3A_354 = arith.cmpf ogt, %dot_general3A_351, %gt3A_353 : vector<256x128xf32>
    %exp3A_355 = math.exp %dot_general3A_351 : vector<256x128xf32>
    %sub3A_356 = arith.constant 1.000000e+00 : f32
    %sub3A_357 = vector.broadcast %sub3A_356 : f32 to vector<256x128xf32>
    %sub3A_358 = arith.subf %exp3A_355, %sub3A_357 : vector<256x128xf32>
    %select_n3A_359 = arith.select %gt3A_354, %dot_general3A_351, %sub3A_358 : vector<256x128xi1>, vector<256x128xf32>
    %get3A_360 = arith.constant 0 : index
    %get3A_361 = arith.constant 0 : index
    %get3A_362 = vector.load %arg27[%get3A_360, %get3A_361] : memref<128x128xf32, #tpu.memory_space<vmem>>, vector<128x128xf32>
    %dot_general3A_363 = arith.constant dense<0.000000e+00> : vector<256x128xf32>
    %dot_general3A_364 = tpu.matmul %select_n3A_359, %get3A_362, %dot_general3A_363 {dimension_numbers = #tpu.dot_dimension_numbers<[1], [0], [0], [1], [0, 0, 1, 1], [], []>, precision = #tpu.contract_precision<fp32>, transpose_lhs_hint = false} : vector<256x128xf32>, vector<128x128xf32>, vector<256x128xf32> -> vector<256x128xf32>
    %get3A_365 = arith.constant 0 : index
    %get3A_366 = arith.constant 0 : index
    %get3A_367 = vector.load %arg28[%get3A_365, %get3A_366] : memref<1x128xf32, #tpu.memory_space<vmem>>, vector<1x128xf32>
    %add3A_368 = vector.broadcast %get3A_367 : vector<1x128xf32> to vector<256x128xf32>
    %add3A_369 = arith.addf %dot_general3A_364, %add3A_368 : vector<256x128xf32>
    %swap3A = arith.constant 0 : index
    %swap3A_370 = arith.constant 0 : index
    %swap3A_371 = arith.constant 0 : index
    %swap3A_372 = vector.load %arg29[%swap3A, %swap3A_370, %swap3A_371] : memref<1x256x128xf32, #tpu.memory_space<vmem>>, vector<1x256x128xf32>
    %swap3A_373 = vector.shape_cast %swap3A_372 : vector<1x256x128xf32> to vector<256x128xf32>
    %swap3A_374 = vector.shape_cast %add3A_369 : vector<256x128xf32> to vector<1x256x128xf32>
    tpu.vector_store %arg29[%swap3A, %swap3A_370, %swap3A_371], %swap3A_374 {strides = array<i32>} : memref<1x256x128xf32, #tpu.memory_space<vmem>>, vector<1x256x128xf32>,
    %get3A_375 = arith.constant 0 : index
    %get3A_376 = arith.constant 0 : index
    %get3A_377 = arith.constant 0 : index
    %get3A_378 = vector.load %arg4[%get3A_375, %get3A_376, %get3A_377] : memref<1x256x16xf32, #tpu.memory_space<vmem>>, vector<1x256x16xf32>
    %get3A_379 = vector.shape_cast %get3A_378 : vector<1x256x16xf32> to vector<256x16xf32>
    %slice3A_380 = vector.extract_strided_slice %get3A_379 {offsets = [0, 0], sizes = [256, 3], strides = [1, 1]} : vector<256x16xf32> to vector<256x3xf32>
    %slice3A_381 = vector.extract_strided_slice %add3A_369 {offsets = [0, 2], sizes = [256, 3], strides = [1, 1]} : vector<256x128xf32> to vector<256x3xf32>
    %add3A_382 = arith.addf %slice3A_380, %slice3A_381 : vector<256x3xf32>
    %broadcast_in_dim3A_383 = arith.constant 0.000000e+00 : f32
    %broadcast_in_dim3A_384 = vector.broadcast %broadcast_in_dim3A_383 : f32 to vector<256x5xf32>
    %concatenate3A_385 = tpu.concatenate %add3A_382, %broadcast_in_dim3A_384 in 1 : vector<256x3xf32>, vector<256x5xf32> -> vector<256x8xf32>
    %swap3A_386 = arith.constant 0 : index
    %swap3A_387 = arith.constant 0 : index
    %swap3A_388 = arith.constant 0 : index
    %swap3A_389 = vector.load %arg30[%swap3A_386, %swap3A_387, %swap3A_388] : memref<1x256x8xf32, #tpu.memory_space<vmem>>, vector<1x256x8xf32>
    %swap3A_390 = vector.shape_cast %swap3A_389 : vector<1x256x8xf32> to vector<256x8xf32>
    %swap3A_391 = vector.shape_cast %concatenate3A_385 : vector<256x8xf32> to vector<1x256x8xf32>
    tpu.vector_store %arg30[%swap3A_386, %swap3A_387, %swap3A_388], %swap3A_391 {strides = array<i32>} : memref<1x256x8xf32, #tpu.memory_space<vmem>>, vector<1x256x8xf32>,
    return
  }
  func.func @transform_0(%arg0: i32) -> (i32, i32, i32) {
    %c0_i32 = arith.constant 0 : i32
    %c0_i32_0 = arith.constant 0 : i32
    %c0_i32_1 = arith.constant 0 : i32
    return %arg0, %c0_i32, %c0_i32_0 : i32, i32, i32
  }
  func.func @transform_1(%arg0: i32) -> (i32, i32, i32) {
    %c0_i32 = arith.constant 0 : i32
    %c0_i32_0 = arith.constant 0 : i32
    %c0_i32_1 = arith.constant 0 : i32
    return %arg0, %c0_i32, %c0_i32_0 : i32, i32, i32
  }
  func.func @transform_2(%arg0: i32) -> (i32, i32, i32) {
    %c0_i32 = arith.constant 0 : i32
    %c0_i32_0 = arith.constant 0 : i32
    %c0_i32_1 = arith.constant 0 : i32
    return %arg0, %c0_i32, %c0_i32_0 : i32, i32, i32
  }
  func.func @transform_3(%arg0: i32) -> (i32, i32, i32) {
    %c0_i32 = arith.constant 0 : i32
    %c0_i32_0 = arith.constant 0 : i32
    %c0_i32_1 = arith.constant 0 : i32
    return %arg0, %c0_i32, %c0_i32_0 : i32, i32, i32
  }
  func.func @transform_4(%arg0: i32) -> (i32, i32) {
    %c0_i32 = arith.constant 0 : i32
    %c0_i32_0 = arith.constant 0 : i32
    %c0_i32_1 = arith.constant 0 : i32
    return %c0_i32, %c0_i32_0 : i32, i32
  }
  func.func @transform_5(%arg0: i32) -> (i32, i32) {
    %c0_i32 = arith.constant 0 : i32
    %c0_i32_0 = arith.constant 0 : i32
    %c0_i32_1 = arith.constant 0 : i32
    return %c0_i32, %c0_i32_0 : i32, i32
  }
  func.func @transform_6(%arg0: i32) -> (i32, i32) {
    %c0_i32 = arith.constant 0 : i32
    %c0_i32_0 = arith.constant 0 : i32
    %c0_i32_1 = arith.constant 0 : i32
    return %c0_i32, %c0_i32_0 : i32, i32
  }
  func.func @transform_7(%arg0: i32) -> (i32, i32) {
    %c0_i32 = arith.constant 0 : i32
    %c0_i32_0 = arith.constant 0 : i32
    %c0_i32_1 = arith.constant 0 : i32
    return %c0_i32, %c0_i32_0 : i32, i32
  }
  func.func @transform_8(%arg0: i32) -> (i32, i32) {
    %c0_i32 = arith.constant 0 : i32
    %c0_i32_0 = arith.constant 0 : i32
    %c0_i32_1 = arith.constant 0 : i32
    return %c0_i32, %c0_i32_0 : i32, i32
  }
  func.func @transform_9(%arg0: i32) -> (i32, i32) {
    %c0_i32 = arith.constant 0 : i32
    %c0_i32_0 = arith.constant 0 : i32
    %c0_i32_1 = arith.constant 0 : i32
    return %c0_i32, %c0_i32_0 : i32, i32
  }
  func.func @transform_10(%arg0: i32) -> (i32, i32) {
    %c0_i32 = arith.constant 0 : i32
    %c0_i32_0 = arith.constant 0 : i32
    %c0_i32_1 = arith.constant 0 : i32
    return %c0_i32, %c0_i32_0 : i32, i32
  }
  func.func @transform_11(%arg0: i32) -> (i32, i32) {
    %c0_i32 = arith.constant 0 : i32
    %c0_i32_0 = arith.constant 0 : i32
    %c0_i32_1 = arith.constant 0 : i32
    return %c0_i32, %c0_i32_0 : i32, i32
  }
  func.func @transform_12(%arg0: i32) -> (i32, i32) {
    %c0_i32 = arith.constant 0 : i32
    %c0_i32_0 = arith.constant 0 : i32
    %c0_i32_1 = arith.constant 0 : i32
    return %c0_i32, %c0_i32_0 : i32, i32
  }
  func.func @transform_13(%arg0: i32) -> (i32, i32) {
    %c0_i32 = arith.constant 0 : i32
    %c0_i32_0 = arith.constant 0 : i32
    %c0_i32_1 = arith.constant 0 : i32
    return %c0_i32, %c0_i32_0 : i32, i32
  }
  func.func @transform_14(%arg0: i32) -> (i32, i32) {
    %c0_i32 = arith.constant 0 : i32
    %c0_i32_0 = arith.constant 0 : i32
    %c0_i32_1 = arith.constant 0 : i32
    return %c0_i32, %c0_i32_0 : i32, i32
  }
  func.func @transform_15(%arg0: i32) -> (i32, i32) {
    %c0_i32 = arith.constant 0 : i32
    %c0_i32_0 = arith.constant 0 : i32
    %c0_i32_1 = arith.constant 0 : i32
    return %c0_i32, %c0_i32_0 : i32, i32
  }
  func.func @transform_16(%arg0: i32) -> (i32, i32) {
    %c0_i32 = arith.constant 0 : i32
    %c0_i32_0 = arith.constant 0 : i32
    %c0_i32_1 = arith.constant 0 : i32
    return %c0_i32, %c0_i32_0 : i32, i32
  }
  func.func @transform_17(%arg0: i32) -> (i32, i32) {
    %c0_i32 = arith.constant 0 : i32
    %c0_i32_0 = arith.constant 0 : i32
    %c0_i32_1 = arith.constant 0 : i32
    return %c0_i32, %c0_i32_0 : i32, i32
  }
  func.func @transform_18(%arg0: i32) -> (i32, i32) {
    %c0_i32 = arith.constant 0 : i32
    %c0_i32_0 = arith.constant 0 : i32
    %c0_i32_1 = arith.constant 0 : i32
    return %c0_i32, %c0_i32_0 : i32, i32
  }
  func.func @transform_19(%arg0: i32) -> (i32, i32) {
    %c0_i32 = arith.constant 0 : i32
    %c0_i32_0 = arith.constant 0 : i32
    %c0_i32_1 = arith.constant 0 : i32
    return %c0_i32, %c0_i32_0 : i32, i32
  }
  func.func @transform_20(%arg0: i32) -> (i32, i32) {
    %c0_i32 = arith.constant 0 : i32
    %c0_i32_0 = arith.constant 0 : i32
    %c0_i32_1 = arith.constant 0 : i32
    return %c0_i32, %c0_i32_0 : i32, i32
  }
  func.func @transform_21(%arg0: i32) -> (i32, i32) {
    %c0_i32 = arith.constant 0 : i32
    %c0_i32_0 = arith.constant 0 : i32
    %c0_i32_1 = arith.constant 0 : i32
    return %c0_i32, %c0_i32_0 : i32, i32
  }
  func.func @transform_22(%arg0: i32) -> (i32, i32) {
    %c0_i32 = arith.constant 0 : i32
    %c0_i32_0 = arith.constant 0 : i32
    %c0_i32_1 = arith.constant 0 : i32
    return %c0_i32, %c0_i32_0 : i32, i32
  }
  func.func @transform_23(%arg0: i32) -> (i32, i32) {
    %c0_i32 = arith.constant 0 : i32
    %c0_i32_0 = arith.constant 0 : i32
    %c0_i32_1 = arith.constant 0 : i32
    return %c0_i32, %c0_i32_0 : i32, i32
  }
  func.func @transform_24(%arg0: i32) -> (i32, i32) {
    %c0_i32 = arith.constant 0 : i32
    %c0_i32_0 = arith.constant 0 : i32
    %c0_i32_1 = arith.constant 0 : i32
    return %c0_i32, %c0_i32_0 : i32, i32
  }
  func.func @transform_25(%arg0: i32) -> (i32, i32) {
    %c0_i32 = arith.constant 0 : i32
    %c0_i32_0 = arith.constant 0 : i32
    %c0_i32_1 = arith.constant 0 : i32
    return %c0_i32, %c0_i32_0 : i32, i32
  }
  func.func @transform_26(%arg0: i32) -> (i32, i32) {
    %c0_i32 = arith.constant 0 : i32
    %c0_i32_0 = arith.constant 0 : i32
    %c0_i32_1 = arith.constant 0 : i32
    return %c0_i32, %c0_i32_0 : i32, i32
  }
  func.func @transform_27(%arg0: i32) -> (i32, i32) {
    %c0_i32 = arith.constant 0 : i32
    %c0_i32_0 = arith.constant 0 : i32
    %c0_i32_1 = arith.constant 0 : i32
    return %c0_i32, %c0_i32_0 : i32, i32
  }
  func.func @transform_28(%arg0: i32) -> (i32, i32, i32) {
    %c0_i32 = arith.constant 0 : i32
    %c0_i32_0 = arith.constant 0 : i32
    %c0_i32_1 = arith.constant 0 : i32
    return %arg0, %c0_i32, %c0_i32_0 : i32, i32, i32
  }
  func.func @transform_29(%arg0: i32) -> (i32, i32, i32) {
    %c0_i32 = arith.constant 0 : i32
    %c0_i32_0 = arith.constant 0 : i32
    %c0_i32_1 = arith.constant 0 : i32
    return %arg0, %c0_i32, %c0_i32_0 : i32, i32, i32
  }
}

</mosaic_0001>

<sc_bundles>
// kernel: kernel.5.cloned.1.call-start
scs
__scs_entry_jumppad:
0x0: {  	(pc) =	sbr.rel $0x88, $3  }
0x1: {  	(tag) =	ssettag $0x0;
	lr =	simm.s32 $0x1  }
0x2: {  	[smem:$0x3F87] =	sst lr;
	_ =	strace $0xD0000000  }
0x3: {  	_ = 	snop  }
0x4: {  	_ = 	snop  }
0x5: {  	_ = 	snop  }
0x6: {  	_ = 	snop  }
0x7: {  	_ = 	snop  }
__scs_overlays_trampoline_lowered:
0x8: {  	[smem:$0x3F96] =	sst s0  }
0x9: {  	[smem:$0x3F97] =	sst s1  }
0xa: {  	[smem:$0x3F98] =	sst s2  }
0xb: {  	[smem:$0x3F99] =	sst s3  }
0xc: {  	[smem:$0x3F9A] =	sst s4  }
0xd: {  	[smem:$0x3F9B] =	sst s5  }
0xe: {  	[smem:$0x3F9C] =	sst s6  }
0xf: {  	[smem:$0x3F9D] =	sst s7  }
0x10: {  	[smem:$0x3F9E] =	sst s8  }
0x11: {  	[smem:$0x3F9F] =	sst s9;
	s0 =	simm.s32 @!p0 $0x0  }
0x12: {  	s1 =	sld [smem:$0x3F85];
	s0 =	simm.s32 @p0 $0x1  }
0x13: {  	[smem:$0x3FA0] =	sst s0;
	s0 =	simm.s32 @!p1 $0x0  }
0x14: {  	s2 =	sld [smem:$0x3F84];
	s0 =	simm.s32 @p1 $0x1  }
0x15: {  	[smem:$0x3FA1] =	sst s0;
	s0 =	simm.s32 @!p2 $0x0  }
0x16: {  	s3 =	sld [smem:$0x3FDB];
	s0 =	simm.s32 @p2 $0x1  }
0x17: {  	s4 =	simm.s32 $0x1BF5;
	[smem:$0x3FA3] =	sst s0  }
0x18: {  	s0 =	sld [smem:$0x3F86];
	_ =	swait.ge [sflag:s4], $0x0  }
0x19: {  	s7 =	sld [smem:$0x3F87]  }
0x1a: {  	s8 =	sadd.s32 $0xFFFFE003, lr  }
0x1b: {  	s9 =	sadd.s32 $0xFFFFFEF7, lr;
	s5 =	simm.s32 $0xFFFFFFFF;
	p2 =	slt.u32 s8, $0xFFFFF086  }
0x1c: {  	p1 =	slt.u32 s9, $0xF7A;
	s5 =	simm.s32 @!p2 $0x0  }
0x1d: {  	s5 =	simm.s32 @p1 $0x1;
	p0 =	seq.s32 s7, s2  }
0x1e: {  	s7 =	smul.u32 @!p0 $0xF7A, s2;
	p2 =	seq.s32 @!p0 s5, $0x0  }
0x1f: {  	s9 =	smul.u32 $0xF7A, s1;
	s8 =	simm.s32 @!p0 $0x1BF5;
	p2 =	por !p2, p0  }
0x20: {  	[sflag:s8] =	ssyncset.s32 @!p0 $0xFFFFF086;
	s6 =	sadd.s32 @!p0 s3, s7;
	s7 =	simm.s32 @!p0 $0x108  }
0x21: {  	s3 =	sadd.s32 s3, s9;
	s6 =	sadd.s32 @!p0 $0x88, s6;
	s7 =	simm.s32 @p2 $0x1082  }
0x22: {  	[simem:s7], [sflag:s8] =	dma.local @!p0 [hbm:s6], $0xF7A  }
0x23: {  	s9 =	sor.u32 $0xD0000000, s2;
	s6 =	simm.s32 $0x108;
	_ =	swait.ge @!p0 [sflag:s8], $0x0  }
0x24: {  	s3 =	sadd.s32 $0x88, s3;
	s6 =	simm.s32 @!p1 $0x1082;
	[sflag:s4] =	ssyncset.s32 $0xFFFFF086  }
0x25: {  	[simem:s6], [sflag:s4] =	dma.local [hbm:s3], $0xF7A  }
0x26: {  	[smem:$0x3F87] =	sst s1;
	(tag) =	ssettag s2;
	_ =	strace s9  }
0x27: {  	s1 =	sld [smem:$0x3F97]  }
0x28: {  	s2 =	sld [smem:$0x3F98]  }
0x29: {  	s4 =	sld [smem:$0x3F9A]  }
0x2a: {  	p0 =	seq.s32 s5, $0x0;
	s5 =	sld [smem:$0x3F9B]  }
0x2b: {  	s6 =	sld [smem:$0x3F9C]  }
0x2c: {  	s7 =	sld [smem:$0x3F9D]  }
0x2d: {  	s3 =	simm.s32 $0x108;
	s8 =	sld [smem:$0x3F9E]  }
0x2e: {  	s3 =	simm.s32 @!p0 $0x1082;
	s9 =	sld [smem:$0x3F9F]  }
0x2f: {  	lr =	sadd.s32 s0, s3;
	s0 =	sld [smem:$0x3F96]  }
0x30: {  	s3 =	sld [smem:$0x3F99]  }
0x31: {  	[smem:$0x3FA2] =	sst s10  }
0x32: {  	s10 =	sld [smem:$0x3FA0];
	_ =	sdelay $0x3  }
0x33: {  	p0 =	seq.s32 s10, $0x1;
	s10 =	sld [smem:$0x3FA2];
	_ =	sdelay $0x3  }
0x34: {  	[smem:$0x3FA2] =	sst s10  }
0x35: {  	s10 =	sld [smem:$0x3FA1];
	_ =	sdelay $0x3  }
0x36: {  	p1 =	seq.s32 s10, $0x1;
	s10 =	sld [smem:$0x3FA2];
	_ =	sdelay $0x3  }
0x37: {  	[smem:$0x3FA2] =	sst s10  }
0x38: {  	s10 =	sld [smem:$0x3FA3]  }
0x39: {  	_ = 	snop;
	(pc) =	sbr.ind lr, $3  }
0x3a: {  	_ = 	snop  }
0x3b: {  	_ = 	snop  }
0x3c: {  	p2 =	seq.s32 s10, $0x1;
	s10 =	sld [smem:$0x3FA2]  }
0x3d: {  	_ =	shalt  }
0x3e: {  	_ =	shalt  }
0x3f: {  	_ =	shalt  }
0x40: {  	_ =	shalt  }
0x41: {  	_ =	shalt  }
0x42: {  	_ =	shalt  }
0x43: {  	_ =	shalt  }
0x44: {  	_ =	shalt  }
0x45: {  	_ =	shalt  }
0x46: {  	_ =	shalt  }
0x47: {  	_ =	shalt  }
0x48: {  	_ =	shalt  }
0x49: {  	_ =	shalt  }
0x4a: {  	_ =	shalt  }
0x4b: {  	_ =	shalt  }
0x4c: {  	_ =	shalt  }
0x4d: {  	_ =	shalt  }
0x4e: {  	_ =	shalt  }
0x4f: {  	_ =	shalt  }
0x50: {  	_ =	shalt  }
0x51: {  	_ =	shalt  }
0x52: {  	_ =	shalt  }
0x53: {  	_ =	shalt  }
0x54: {  	_ =	shalt  }
0x55: {  	_ =	shalt  }
0x56: {  	_ =	shalt  }
0x57: {  	_ =	shalt  }
0x58: {  	_ =	shalt  }
0x59: {  	_ =	shalt  }
0x5a: {  	_ =	shalt  }
0x5b: {  	_ =	shalt  }
0x5c: {  	_ =	shalt  }
0x5d: {  	_ =	shalt  }
0x5e: {  	_ =	shalt  }
0x5f: {  	_ =	shalt  }
0x60: {  	_ =	shalt  }
0x61: {  	_ =	shalt  }
0x62: {  	_ =	shalt  }
0x63: {  	_ =	shalt  }
0x64: {  	_ =	shalt  }
0x65: {  	_ =	shalt  }
0x66: {  	_ =	shalt  }
0x67: {  	_ =	shalt  }
0x68: {  	_ =	shalt  }
0x69: {  	_ =	shalt  }
0x6a: {  	_ =	shalt  }
0x6b: {  	_ =	shalt  }
0x6c: {  	_ =	shalt  }
0x6d: {  	_ =	shalt  }
0x6e: {  	_ =	shalt  }
0x6f: {  	_ =	shalt  }
0x70: {  	_ =	shalt  }
0x71: {  	_ =	shalt  }
0x72: {  	_ =	shalt  }
0x73: {  	_ =	shalt  }
0x74: {  	_ =	shalt  }
0x75: {  	_ =	shalt  }
0x76: {  	_ =	shalt  }
0x77: {  	_ =	shalt  }
0x78: {  	_ =	shalt  }
0x79: {  	_ =	shalt  }
0x7a: {  	_ =	shalt  }
0x7b: {  	_ =	shalt  }
0x7c: {  	_ =	shalt  }
0x7d: {  	_ =	shalt  }
0x7e: {  	_ =	shalt  }
0x7f: {  	_ =	shalt  }
0x80: {  	_ =	shalt  }
0x81: {  	_ =	shalt  }
0x82: {  	_ =	shalt  }
0x83: {  	_ =	shalt  }
0x84: {  	_ =	shalt  }
0x85: {  	_ =	shalt  }
0x86: {  	_ =	shalt  }
0x87: {  	_ =	shalt  }
.Lfunc_end0:
.L_simem_size_0:
called_computation_lowered:
.L_overlay_start_0:
0x88: {  	s2 =	sld [smem:$0x3FD9]  }
0x89: {  	s3 =	sld [smem:$0x3FFE];
	_ =	sdelay $0x1  }
0x8a: {  	s1 =	srdreg.scid  }
0x8b: {  	s0 =	sand.u32 $0x1, s1  }
0x8c: {  	s17 =	sshll.u32 s0, $0xA;
	s2 =	sadd.s32 s3, s2  }
0x8d: {  	s2 =	sadd.s32 s2, s17  }
0x8e: {  	[smem:$0x3FAE] =	sst s2  }
0x8f: {  	_ = 	snop  }
0x90: {  	s2 =	sld [smem:$0x3FD0];
	(tm) =	ssettm $0x1  }
0x91: {  	s18 =	sld [smem:$0x3FFB];
	_ =	sdelay $0x3  }
0x92: {  	_ =	strace s18  }
0x93: {  	s3 =	sld [smem:$0x3FFC];
	_ =	sdelay $0x3  }
0x94: {  	_ =	strace s3  }
0x95: {  	s3 =	sld [smem:$0x3FFD];
	_ =	sdelay $0x3  }
0x96: {  	_ =	strace s3  }
0x97: {  	_ =	strace $0x8FFFFFFF  }
0x98: {  	s19 =	sld [smem:$0x3FDB];
	_ =	sdelay $0x1  }
0x99: {  	s4 =	simm.s32 $_scs_section_size  }
0x9a: {  	s5 =	simm.s32 $_size__tile_overlayer_lowered;
	s6 =	simm.s32 $_tile_overlayer_lowered  }
0x9b: {  	s22 =	simm.s32 $0x1BFF;
	s21 =	sshll.u32 s6, $0x1;
	s3 =	sadd.s32 s4, s19  }
0x9c: {  	s7 =	simm.s32 $0x0;
	s20 =	sshll.u32 s5, $0x1;
	s5 =	sadd.s32 s21, s3  }
0x9d: {  	[timem:s7], [sflag:s22] =	dma.local [hbm:s5], s20  }
0x9e: {  	_ =	swait.ge [sflag:s22], s20  }
0x9f: {  	s4 =	ssub.s32 $0x0, s20;
	[sflag:s22] =	ssyncset.done $0x0  }
0xa0: {  	[sflag:s22] =	ssyncadd.s32 s4;
	_ =	sdelay $0x1  }
0xa1: {  	s23 =	simm.s32 $0x1B8B  }
0xa2: {  	_ =	swait.ge [sflag:s23], $0x1  }
0xa3: {  	[sflag:s23] =	ssyncset.done $0x0  }
0xa4: {  	s25 =	simm.s32 $0x1B8E;
	s24 =	sld [smem:$0x3FFE];
	[sflag:s23] =	ssyncadd.s32 $0xFFFFFFFF  }
0xa5: {  	s26 =	simm.s32 $execute0_lowered;
	[smem:$0x3FD2] =	sst s25  }
0xa6: {  	s5 =	sshll.u32 s26, $0x1;
	_ =	strace $0x80000046;
	[dreg:$0x1] =	wrdreg $0xFFFFFFFF  }
0xa7: {  	s28 =	simm.s32 $_size_execute0_lowered;
	s3 =	sadd.s32 s3, s5;
	[dreg:$0x0] =	wrdreg $0x0  }
0xa8: {  	s5 =	sshll.u32 s28, $0x1;
	[dreg:$0x2] =	wrdreg s3  }
0xa9: {  	[dreg:$0x3] =	wrdreg s5  }
0xaa: {  	[dreg:$0x4] =	wrdreg $0xC0  }
0xab: {  	_ =	task [dreg:s7], $0x5FFFF  }
0xac: {  	[dreg:$0x1] =	wrdreg $0xFFFFFFFF  }
0xad: {  	[dreg:$0x0] =	wrdreg $0x60  }
0xae: {  	[dreg:$0x2] =	wrdreg s24  }
0xaf: {  	[dreg:$0x3] =	wrdreg s2  }
0xb0: {  	[dreg:$0x4] =	wrdreg $0x9  }
0xb1: {  	_ =	task.clear_ibuf [dreg:s7], $0x5FFFF;
	_ =	strace $0x90000046  }
0xb2: {  	s29 =	simm.s32 $0x9;
	_ =	strace $0x8000004F  }
0xb3: {  	_ =	swait.ge [sflag:s29], $0x1  }
0xb4: {  	[sflag:s29] =	ssyncadd.s32 $0xFFFFFFFF  }
0xb5: {  	_ =	strace $0x9000004F  }
0xb6: {  	_ =	sfence  }
0xb7: {  	s30 =	sld [smem:$0x0];
	_ =	sdelay $0x2  }
0xb8: {  	s31 =	sshll.u32 s1, $0xD;
	s1 =	sshrl.u32 s1, $0x2  }
0xb9: {  	s3 =	sand.u32 $0x4000, s31;
	s1 =	sadd.s32 s1, s30  }
0xba: {  	s0 =	sor.u32 s3, s0;
	s1 =	sshll.u32 s1, $0x11  }
0xbb: {  	s0 =	sor.u32 s1, s0  }
0xbc: {  	s0 =	sadd.s32 $0x8F2B, s0  }
0xbd: {  	[sflag:s0] =	ssyncadd.remote.s32 $0x1  }
0xbe: {  	_ =	sfence.sel $0xFFFF  }
0xbf: {  	[dreg:$0x0] =	wrdreg $0xFFFFFFFF;
	(pc) =	sbr.abs _section_cstart, $3  }
0xc0: {  	[dreg:$0x1] =	wrdreg $0xFFFFFFFF  }
0xc1: {  	_ =	task.clear_ibuf [dreg:s7], $0x2FFFF;
	_ =	strace $0x9FFFFFFF  }
0xc2: {  	(tm) =	ssettm $0x7FFFFFFF  }
0xc3: {  	_ =	shalt  }
tec
execute0_lowered:
.L_overlay_start_1:
0x0: {  	(tag) =	ssettag $0x1  }
0x1: {  	s10 =	rddreg [dreg:$0x0];
	s1 =	srdreg.scid  }
0x2: {  	s3 =	rddreg [dreg:$0x1];
	s20 =	sand.u32 $0x1, s1  }
0x3: {  	s2 =	simm.s32 $0x0;
	s1 =	stileid.u32;
	s4 =	sshll.u32 s20, $0x4  }
0x4: {  	[smem:$0x7FF] =	sst s2;
	s11 =	sor.u32 s1, s4  }
0x5: {  	s0 =	rddreg [dreg:$0x2];
	_ =	strace $0x80000047;
	s4 =	sshll.u32 s11, $0x7  }
0x6: {  	_ =	strace $0x80000048;
	s3 =	sadd.s32 s3, s4  }
0x7: {  	[tilespmem:s2], [sflag:$0x1] =	stream.linear.gather [hbm4b:s3+s2], $0x100, $0x200038;
	[tilespmem:$0x10200] =	vst v63  }
0x8: {  	_ =	strace $0x90000048  }
0x9: {  	s5 =	simm.s32 $0x100;
	s4 =	sadd.s32 $0x20, s3;
	_ =	strace $0x80000049  }
0xa: {  	[tilespmem:s5], [sflag:$0x2] =	stream.linear.gather [hbm4b:s4+s2], $0x100, $0x200038;
	[tilespmem:$0x10200] =	vst v63  }
0xb: {  	_ =	strace $0x90000049  }
0xc: {  	s6 =	simm.s32 $0x1;
	_ =	strace $0x8000004A  }
0xd: {  	_ =	swait.ge [sflag:s6], $0x100  }
0xe: {  	[sflag:s6] =	ssyncset.done $0x0  }
0xf: {  	[sflag:s6] =	ssyncadd.s32 $0xFFFFFF00  }
0x10: {  	s8 =	simm.s32 $0x200;
	_ =	strace $0x9000004A  }
0x11: {  	s9 =	simm.s32 $0x5;
	s7 =	sadd.s32 $0x4000, s10;
	_ =	strace $0x8000004B  }
0x12: {  	[tilespmem:s8], [sflag:$0x5] =	stream.indirect.gather [hbm4b:s7+s5], $0x80, s2, s5, $0x2000b8;
	[tilespmem:$0x10200] =	vst v63  }
0x13: {  	_ =	swait.ge [sflag:s9], $0x8000  }
0x14: {  	[sflag:s9] =	ssyncset.done $0x0  }
0x15: {  	s11 =	sshll.u32 s11, $0xE;
	[sflag:s9] =	ssyncadd.s32 $0xFFFF8000  }
0x16: {  	s19 =	sadd.s32 s11, s10;
	_ =	strace $0x9000004B  }
0x17: {  	s10 =	sadd.s32 $0x24000, s19;
	_ =	strace $0x8000004C  }
0x18: {  	[hbm4b:s10+s2] =	stream.linear.scatter [tilespmem:s8], [sflag:$0x3], $0x8000, $0x200038;
	[tilespmem:$0x10200] =	vst v63  }
0x19: {  	_ =	strace $0x9000004C  }
0x1a: {  	s11 =	sadd.s32 $0x40, s3;
	_ =	strace $0x80000049  }
0x1b: {  	[tilespmem:s2], [sflag:$0x1] =	stream.linear.gather [hbm4b:s11+s2], $0x100, $0x200038;
	[tilespmem:$0x10200] =	vst v63  }
0x1c: {  	_ =	strace $0x90000049  }
0x1d: {  	s12 =	simm.s32 $0x2;
	_ =	strace $0x8000004A  }
0x1e: {  	_ =	swait.ge [sflag:s12], $0x100  }
0x1f: {  	[sflag:s12] =	ssyncset.done $0x0  }
0x20: {  	[sflag:s12] =	ssyncadd.s32 $0xFFFFFF00  }
0x21: {  	_ =	strace $0x9000004A  }
0x22: {  	s13 =	simm.s32 $0x8200;
	_ =	strace $0x8000004B  }
0x23: {  	[tilespmem:s13], [sflag:$0x5] =	stream.indirect.gather [hbm4b:s7+s5], $0x80, s5, s5, $0x2000b8;
	[tilespmem:$0x10200] =	vst v63  }
0x24: {  	_ =	swait.ge [sflag:s9], $0x8000  }
0x25: {  	[sflag:s9] =	ssyncset.done $0x0  }
0x26: {  	[sflag:s9] =	ssyncadd.s32 $0xFFFF8000  }
0x27: {  	_ =	strace $0x9000004B  }
0x28: {  	s14 =	sadd.s32 $0x25000, s19;
	_ =	strace $0x8000004C  }
0x29: {  	[hbm4b:s14+s2] =	stream.linear.scatter [tilespmem:s13], [sflag:$0x4], $0x8000, $0x200038;
	[tilespmem:$0x10200] =	vst v63  }
0x2a: {  	_ =	strace $0x9000004C  }
0x2b: {  	s15 =	simm.s32 $0x3;
	_ =	strace $0x8000004D  }
0x2c: {  	_ =	swait.ge [sflag:s15], $0x8000  }
0x2d: {  	[sflag:s15] =	ssyncset.done $0x0  }
0x2e: {  	[sflag:s15] =	ssyncadd.s32 $0xFFFF8000  }
0x2f: {  	_ =	strace $0x9000004D  }
0x30: {  	s16 =	sadd.s32 $0x60, s3;
	_ =	strace $0x80000049  }
0x31: {  	[tilespmem:s5], [sflag:$0x2] =	stream.linear.gather [hbm4b:s16+s2], $0x100, $0x200038;
	[tilespmem:$0x10200] =	vst v63  }
0x32: {  	_ =	strace $0x90000049  }
0x33: {  	_ =	strace $0x8000004A  }
0x34: {  	_ =	swait.ge [sflag:s6], $0x100  }
0x35: {  	[sflag:s6] =	ssyncset.done $0x0  }
0x36: {  	[sflag:s6] =	ssyncadd.s32 $0xFFFFFF00  }
0x37: {  	_ =	strace $0x9000004A  }
0x38: {  	_ =	strace $0x8000004B  }
0x39: {  	[tilespmem:s8], [sflag:$0x5] =	stream.indirect.gather [hbm4b:s7+s5], $0x80, s2, s5, $0x2000b8;
	[tilespmem:$0x10200] =	vst v63  }
0x3a: {  	_ =	swait.ge [sflag:s9], $0x8000  }
0x3b: {  	[sflag:s9] =	ssyncset.done $0x0  }
0x3c: {  	[sflag:s9] =	ssyncadd.s32 $0xFFFF8000  }
0x3d: {  	_ =	strace $0x9000004B  }
0x3e: {  	s17 =	sadd.s32 $0x26000, s19;
	_ =	strace $0x8000004C  }
0x3f: {  	[hbm4b:s17+s2] =	stream.linear.scatter [tilespmem:s8], [sflag:$0x3], $0x8000, $0x200038;
	[tilespmem:$0x10200] =	vst v63  }
0x40: {  	_ =	strace $0x9000004C  }
0x41: {  	s18 =	simm.s32 $0x4;
	_ =	strace $0x8000004D  }
0x42: {  	_ =	swait.ge [sflag:s18], $0x8000  }
0x43: {  	[sflag:s18] =	ssyncset.done $0x0  }
0x44: {  	[sflag:s18] =	ssyncadd.s32 $0xFFFF8000  }
0x45: {  	_ =	strace $0x9000004D  }
0x46: {  	_ =	strace $0x8000004A  }
0x47: {  	_ =	swait.ge [sflag:s12], $0x100  }
0x48: {  	[sflag:s12] =	ssyncset.done $0x0  }
0x49: {  	[sflag:s12] =	ssyncadd.s32 $0xFFFFFF00  }
0x4a: {  	_ =	strace $0x9000004A  }
0x4b: {  	_ =	strace $0x8000004B  }
0x4c: {  	[tilespmem:s13], [sflag:$0x5] =	stream.indirect.gather [hbm4b:s7+s5], $0x80, s5, s5, $0x2000b8;
	[tilespmem:$0x10200] =	vst v63  }
0x4d: {  	_ =	swait.ge [sflag:s9], $0x8000  }
0x4e: {  	[sflag:s9] =	ssyncset.done $0x0  }
0x4f: {  	[sflag:s9] =	ssyncadd.s32 $0xFFFF8000  }
0x50: {  	_ =	strace $0x9000004B  }
0x51: {  	s19 =	sadd.s32 $0x27000, s19;
	_ =	strace $0x8000004C  }
0x52: {  	[hbm4b:s19+s2] =	stream.linear.scatter [tilespmem:s13], [sflag:$0x4], $0x8000, $0x200038;
	[tilespmem:$0x10200] =	vst v63  }
0x53: {  	s20 =	ssub.s32 $0x2, s20;
	_ =	strace $0x9000004C  }
0x54: {  	s21 =	sshrl.u32 s20, $0x1;
	_ =	strace $0x8000004D  }
0x55: {  	s20 =	ssub.s32 s20, s21;
	_ =	swait.ge [sflag:s15], $0x8000  }
0x56: {  	s20 =	smax.u32 s20, $0x1;
	[sflag:s15] =	ssyncset.done $0x0  }
0x57: {  	p0 =	sne.s32 s20, $0x1;
	[sflag:s15] =	ssyncadd.s32 $0xFFFF8000  }
.Ltmp0:
0x58: {  	_ =	strace $0x9000004D;
	(pc) =	sbr.rel @!p0 .LBB2_2-.Ltmp0, $4  }
0x59: {  	_ =	strace $0x8000004E  }
0x5a: {  	_ =	swait.ge [sflag:s18], $0x8000  }
0x5b: {  	[sflag:s18] =	ssyncset.done $0x0  }
0x5c: {  	s20 =	sadd.s32 $0xFFFFFFFF, s20;
	[sflag:s18] =	ssyncadd.s32 $0xFFFF8000  }
.LBB2_1:
0x5d: {  	p0 =	sne.s32 s20, $0x1;
	s20 =	sadd.s32 $0xFFFFFFFF, s20;
	_ =	strace $0x9000004E  }
0x5e: {  	_ =	strace $0x80000048  }
0x5f: {  	[tilespmem:s2], [sflag:$0x1] =	stream.linear.gather [hbm4b:s3+s2], $0x100, $0x200038;
	[tilespmem:$0x10200] =	vst v63  }
0x60: {  	_ =	strace $0x90000048  }
0x61: {  	_ =	strace $0x80000049  }
0x62: {  	[tilespmem:s5], [sflag:$0x2] =	stream.linear.gather [hbm4b:s4+s2], $0x100, $0x200038;
	[tilespmem:$0x10200] =	vst v63  }
0x63: {  	_ =	strace $0x90000049  }
0x64: {  	_ =	strace $0x8000004A  }
0x65: {  	_ =	swait.ge [sflag:s6], $0x100  }
0x66: {  	[sflag:s6] =	ssyncset.done $0x0  }
0x67: {  	[sflag:s6] =	ssyncadd.s32 $0xFFFFFF00  }
0x68: {  	_ =	strace $0x9000004A  }
0x69: {  	_ =	strace $0x8000004B  }
0x6a: {  	[tilespmem:s8], [sflag:$0x5] =	stream.indirect.gather [hbm4b:s7+s5], $0x80, s2, s5, $0x2000b8;
	[tilespmem:$0x10200] =	vst v63  }
0x6b: {  	_ =	swait.ge [sflag:s9], $0x8000  }
0x6c: {  	[sflag:s9] =	ssyncset.done $0x0  }
0x6d: {  	[sflag:s9] =	ssyncadd.s32 $0xFFFF8000  }
0x6e: {  	_ =	strace $0x9000004B  }
0x6f: {  	_ =	strace $0x8000004C  }
0x70: {  	[hbm4b:s10+s2] =	stream.linear.scatter [tilespmem:s8], [sflag:$0x3], $0x8000, $0x200038;
	[tilespmem:$0x10200] =	vst v63  }
0x71: {  	_ =	strace $0x9000004C  }
0x72: {  	_ =	strace $0x80000049  }
0x73: {  	[tilespmem:s2], [sflag:$0x1] =	stream.linear.gather [hbm4b:s11+s2], $0x100, $0x200038;
	[tilespmem:$0x10200] =	vst v63  }
0x74: {  	_ =	strace $0x90000049  }
0x75: {  	_ =	strace $0x8000004A  }
0x76: {  	_ =	swait.ge [sflag:s12], $0x100  }
0x77: {  	[sflag:s12] =	ssyncset.done $0x0  }
0x78: {  	[sflag:s12] =	ssyncadd.s32 $0xFFFFFF00  }
0x79: {  	_ =	strace $0x9000004A  }
0x7a: {  	_ =	strace $0x8000004B  }
0x7b: {  	[tilespmem:s13], [sflag:$0x5] =	stream.indirect.gather [hbm4b:s7+s5], $0x80, s5, s5, $0x2000b8;
	[tilespmem:$0x10200] =	vst v63  }
0x7c: {  	_ =	swait.ge [sflag:s9], $0x8000  }
0x7d: {  	[sflag:s9] =	ssyncset.done $0x0  }
0x7e: {  	[sflag:s9] =	ssyncadd.s32 $0xFFFF8000  }
0x7f: {  	_ =	strace $0x9000004B  }
0x80: {  	_ =	strace $0x8000004C  }
0x81: {  	[hbm4b:s14+s2] =	stream.linear.scatter [tilespmem:s13], [sflag:$0x4], $0x8000, $0x200038;
	[tilespmem:$0x10200] =	vst v63  }
0x82: {  	_ =	strace $0x9000004C  }
0x83: {  	_ =	strace $0x8000004D  }
0x84: {  	_ =	swait.ge [sflag:s15], $0x8000  }
0x85: {  	[sflag:s15] =	ssyncset.done $0x0  }
0x86: {  	[sflag:s15] =	ssyncadd.s32 $0xFFFF8000  }
0x87: {  	_ =	strace $0x9000004D  }
0x88: {  	_ =	strace $0x80000049  }
0x89: {  	[tilespmem:s5], [sflag:$0x2] =	stream.linear.gather [hbm4b:s16+s2], $0x100, $0x200038;
	[tilespmem:$0x10200] =	vst v63  }
0x8a: {  	_ =	strace $0x90000049  }
0x8b: {  	_ =	strace $0x8000004A  }
0x8c: {  	_ =	swait.ge [sflag:s6], $0x100  }
0x8d: {  	[sflag:s6] =	ssyncset.done $0x0  }
0x8e: {  	[sflag:s6] =	ssyncadd.s32 $0xFFFFFF00  }
0x8f: {  	_ =	strace $0x9000004A  }
0x90: {  	_ =	strace $0x8000004B  }
0x91: {  	[tilespmem:s8], [sflag:$0x5] =	stream.indirect.gather [hbm4b:s7+s5], $0x80, s2, s5, $0x2000b8;
	[tilespmem:$0x10200] =	vst v63  }
0x92: {  	_ =	swait.ge [sflag:s9], $0x8000  }
0x93: {  	[sflag:s9] =	ssyncset.done $0x0  }
0x94: {  	[sflag:s9] =	ssyncadd.s32 $0xFFFF8000  }
0x95: {  	_ =	strace $0x9000004B  }
0x96: {  	_ =	strace $0x8000004C  }
0x97: {  	[hbm4b:s17+s2] =	stream.linear.scatter [tilespmem:s8], [sflag:$0x3], $0x8000, $0x200038;
	[tilespmem:$0x10200] =	vst v63  }
0x98: {  	_ =	strace $0x9000004C  }
0x99: {  	_ =	strace $0x8000004D  }
0x9a: {  	_ =	swait.ge [sflag:s18], $0x8000  }
0x9b: {  	[sflag:s18] =	ssyncset.done $0x0  }
0x9c: {  	[sflag:s18] =	ssyncadd.s32 $0xFFFF8000  }
0x9d: {  	_ =	strace $0x9000004D  }
0x9e: {  	_ =	strace $0x8000004A  }
0x9f: {  	_ =	swait.ge [sflag:s12], $0x100  }
0xa0: {  	[sflag:s12] =	ssyncset.done $0x0  }
0xa1: {  	[sflag:s12] =	ssyncadd.s32 $0xFFFFFF00  }
0xa2: {  	_ =	strace $0x9000004A  }
0xa3: {  	_ =	strace $0x8000004B  }
0xa4: {  	[tilespmem:s13], [sflag:$0x5] =	stream.indirect.gather [hbm4b:s7+s5], $0x80, s5, s5, $0x2000b8;
	[tilespmem:$0x10200] =	vst v63  }
0xa5: {  	_ =	swait.ge [sflag:s9], $0x8000  }
0xa6: {  	[sflag:s9] =	ssyncset.done $0x0  }
0xa7: {  	[sflag:s9] =	ssyncadd.s32 $0xFFFF8000  }
0xa8: {  	_ =	strace $0x9000004B  }
0xa9: {  	_ =	strace $0x8000004C  }
0xaa: {  	[hbm4b:s19+s2] =	stream.linear.scatter [tilespmem:s13], [sflag:$0x4], $0x8000, $0x200038;
	[tilespmem:$0x10200] =	vst v63  }
0xab: {  	_ =	strace $0x9000004C  }
0xac: {  	_ =	strace $0x8000004D  }
0xad: {  	_ =	swait.ge [sflag:s15], $0x8000  }
0xae: {  	[sflag:s15] =	ssyncset.done $0x0  }
0xaf: {  	[sflag:s15] =	ssyncadd.s32 $0xFFFF8000  }
.Ltmp1:
0xb0: {  	_ =	strace $0x9000004D;
	(pc) =	sbr.rel @p0 .LBB2_1-.Ltmp1, $4  }
0xb1: {  	_ =	strace $0x8000004E  }
0xb2: {  	_ =	swait.ge [sflag:s18], $0x8000  }
0xb3: {  	[sflag:s18] =	ssyncset.done $0x0  }
0xb4: {  	[sflag:s18] =	ssyncadd.s32 $0xFFFF8000  }
.LBB2_2:
0xb5: {  	_ =	strace $0x9000004E  }
0xb6: {  	_ =	sfence.sel $0x180000  }
0xb7: {  	[bflag:$0x0] =	sbarrier.arrive $0xFFFF  }
0xb8: {  	p0 =	sne.s32 s1, $0x0;
	_ =	strace $0x90000047  }
0xb9: {  	s0 =	sadd.s32 @!p0 $0x100000, s0;
	[bflag:$0x2] =	sbarrier.arrive $0xFFFF  }
0xba: {  	[sflag:s0] =	ssyncadd.tile.s32 @!p0 $0x1;
	_ =	shalt  }
.Lfunc_end2:
_tile_overlayer_lowered:
.L_overlay_start_2:
0xbb: {  	(tag) =	ssettag $0x2  }
0xbc: {  	s0 =	rddreg [dreg:$0x0];
	s2 =	stileid.u32  }
0xbd: {  	s1 =	rddreg [dreg:$0x1];
	p0 =	sne.s32 s2, $0x0  }
0xbe: {  	s3 =	rddreg [dreg:$0x2];
	[bflag:$0x3] =	sbarrier.arrive $0xFFFF;
	s2 =	simm.s32 @!p0 $0x1C01  }
0xbf: {  	[timem:s3], [sflag:s2] =	dma.local @!p0 [hbm:s0], s1  }
0xc0: {  	s0 =	simm.s32 @!p0 $0x1  }
0xc1: {  	_ =	swait.ge @!p0 [sflag:s0], s1  }
0xc2: {  	s1 =	ssub.s32 @!p0 $0x0, s1;
	[sflag:s0] =	ssyncset.done @!p0 $0x0  }
0xc3: {  	[sflag:s0] =	ssyncadd.s32 @!p0 s1  }
0xc4: {  	[bflag:$0x3] =	sbarrier.arrive $0xFFFF  }
0xc5: {  	_ =	shalt  }

</sc_bundles>
